<compile_context>
chip_gen: v7x
topology: tpu7x:2x2x1
jax: 0.10.2.dev20260603
libtpu: 0.0.44.dev20260713+nightly
codegen_flags: <defaults>
</compile_context>

<pallas_src>
import functools

import jax
import jax.numpy as jnp
from jax.experimental import pallas as pl
from jax.experimental.pallas import tpu as pltpu
from jax.experimental.pallas import tpu_sc as plsc

B, N1, N2 = 8, 8192, 2048
C1, C2 = 128, 256
IN_CH, OUT_CH = C1 + C2, 256
EPS_BN = 1e-5

TILE = 2048
NT = N1 // TILE

NW = 32
Q = B * N1
QW = Q // NW
CH = 32
NCHUNK = QW // CH


def _passA_body(xyz1_ref, xyz2_ref, idx_ref, w3_ref):
    b = pl.program_id(0)

    q = xyz1_ref[0]
    p = xyz2_ref[0]
    q2 = jnp.sum(q * q, axis=1, keepdims=True)
    p2 = jnp.sum(p * p, axis=1)
    qp = jax.lax.dot_general(q, p, (((1,), (1,)), ((), ())),
                             preferred_element_type=jnp.float32)
    d2 = q2 + p2[None, :] - 2.0 * qp

    iota_f = jax.lax.broadcasted_iota(jnp.int32, (TILE, N2), 1).astype(jnp.float32)
    work = d2
    idxs, ws = [], []
    w_sum = jnp.zeros((TILE, 1), jnp.float32)
    for _ in range(3):
        mk = jnp.min(work, axis=1, keepdims=True)
        sel = work == mk
        idxf = jnp.min(jnp.where(sel, iota_f, jnp.float32(1e9)), axis=1,
                       keepdims=True)
        dk = jnp.sqrt(jnp.maximum(mk, 1e-12)) + 1e-8
        wk = 1.0 / dk
        idxs.append(idxf)
        ws.append(wk)
        w_sum = w_sum + wk
        work = jnp.where(sel, jnp.float32(3.4e38), work)
    inv = 1.0 / w_sum
    idx3 = jnp.concatenate(idxs, axis=1).astype(jnp.int32) + b * N2
    w3 = jnp.concatenate([w * inv for w in ws], axis=1)
    idx_ref[0] = idx3
    w3_ref[0] = jnp.broadcast_to(w3[:, :, None], (TILE, 3, 16))


def _sc_interp_body(table_ref, idx_ref, w_ref, out_ref,
                    idx_v, w_v, rows_v, acc_v, sem):
    wid = jax.lax.axis_index("s") * 2 + jax.lax.axis_index("c")
    base = wid * QW

    def chunk(ci, carry):
        q0 = base + ci * CH
        pltpu.sync_copy(idx_ref.at[pl.ds(q0 * 3, CH * 3)], idx_v)
        pltpu.sync_copy(w_ref.at[pl.ds(q0 * 3, CH * 3)], w_v)
        pltpu.async_copy(table_ref.at[idx_v], rows_v, sem).wait()

        def qbody(qi, c2):
            r0 = qi * 3
            w0 = w_v[r0, :]
            w1 = w_v[r0 + 1, :]
            w2 = w_v[r0 + 2, :]
            for cg in range(C2 // 16):
                sl = pl.ds(cg * 16, 16)
                acc_v[qi, sl] = (rows_v[r0, sl] * w0 + rows_v[r0 + 1, sl] * w1
                                 + rows_v[r0 + 2, sl] * w2)
            return c2

        jax.lax.fori_loop(0, CH, qbody, 0)
        pltpu.sync_copy(acc_v, out_ref.at[pl.ds(q0, CH)])
        return carry

    jax.lax.fori_loop(0, NCHUNK, chunk, 0)


def _passB_body(interp_ref, feats1_ref, wi_ref, wf_ref, y_ref, partial_ref):
    b = pl.program_id(0)
    n = pl.program_id(1)
    it = interp_ref[0]
    y = (jax.lax.dot_general(wi_ref[...], it, (((1,), (1,)), ((), ())),
                             preferred_element_type=jnp.float32)
         + jax.lax.dot_general(wf_ref[...], feats1_ref[0],
                               (((1,), (0,)), ((), ())),
                               preferred_element_type=jnp.float32))
    y_ref[0] = y.astype(jnp.bfloat16)

    ps = jnp.sum(y, axis=1)
    pss = jnp.sum(y * y, axis=1)
    part = jnp.stack([ps, pss], axis=0)

    @pl.when(jnp.logical_and(b == 0, n == 0))
    def _init():
        partial_ref[...] = part

    @pl.when(jnp.logical_or(b != 0, n != 0))
    def _acc():
        partial_ref[...] = partial_ref[...] + part


def _pass2_body(y_ref, partial_ref, gamma_ref, beta_ref, out_ref):
    sums = partial_ref[...]
    cnt = jnp.float32(B * N1)
    mean = sums[0] / cnt
    var = sums[1] / cnt - mean * mean
    scale = gamma_ref[...][0] / jnp.sqrt(var + EPS_BN)
    shift = beta_ref[...][0] - mean * scale
    y = y_ref[0].astype(jnp.float32)
    out_ref[0] = jnp.maximum(y * scale[:, None] + shift[:, None], 0.0)


@jax.jit
def kernel(xyz1, xyz2, feats1, feats2, W, gamma, beta):
    idx3, w3 = pl.pallas_call(
        _passA_body,
        grid=(B, NT),
        in_specs=[
            pl.BlockSpec((1, TILE, 3), lambda b, n: (b, n, 0)),
            pl.BlockSpec((1, N2, 3), lambda b, n: (b, 0, 0)),
        ],
        out_specs=[
            pl.BlockSpec((1, TILE, 3), lambda b, n: (b, n, 0)),
            pl.BlockSpec((1, TILE, 3, 16), lambda b, n: (b, n, 0, 0)),
        ],
        out_shape=[
            jax.ShapeDtypeStruct((B, N1, 3), jnp.int32),
            jax.ShapeDtypeStruct((B, N1, 3, 16), jnp.float32),
        ],
    )(xyz1, xyz2)

    table = jnp.transpose(feats2, (0, 2, 1)).reshape(B * N2, C2)
    idx_flat = idx3.reshape(Q * 3)
    w_flat = w3.reshape(Q * 3, 16)

    mesh = plsc.VectorSubcoreMesh(core_axis_name="c", subcore_axis_name="s")
    sc_interp = functools.partial(
        pl.kernel,
        mesh=mesh,
        out_type=jax.ShapeDtypeStruct((Q, C2), jnp.float32),
        scratch_types=[
            pltpu.VMEM((CH * 3,), jnp.int32),
            pltpu.VMEM((CH * 3, 16), jnp.float32),
            pltpu.VMEM((CH * 3, C2), jnp.float32),
            pltpu.VMEM((CH, C2), jnp.float32),
            pltpu.SemaphoreType.DMA,
        ],
    )(_sc_interp_body)
    interp = sc_interp(table, idx_flat, w_flat)

    y, partials = pl.pallas_call(
        _passB_body,
        grid=(B, NT),
        in_specs=[
            pl.BlockSpec((1, TILE, C2), lambda b, n: (b, n, 0)),
            pl.BlockSpec((1, C1, TILE), lambda b, n: (b, 0, n)),
            pl.BlockSpec((OUT_CH, C2), lambda b, n: (0, 0)),
            pl.BlockSpec((OUT_CH, C1), lambda b, n: (0, 0)),
        ],
        out_specs=[
            pl.BlockSpec((1, OUT_CH, TILE), lambda b, n: (b, 0, n)),
            pl.BlockSpec((2, OUT_CH), lambda b, n: (0, 0)),
        ],
        out_shape=[
            jax.ShapeDtypeStruct((B, OUT_CH, N1), jnp.bfloat16),
            jax.ShapeDtypeStruct((2, OUT_CH), jnp.float32),
        ],
    )(interp.reshape(B, N1, C2), feats1, W[:, :C2], W[:, C2:])

    T2 = 2048
    out = pl.pallas_call(
        _pass2_body,
        grid=(B, N1 // T2),
        in_specs=[
            pl.BlockSpec((1, OUT_CH, T2), lambda b, n: (b, 0, n)),
            pl.BlockSpec((2, OUT_CH), lambda b, n: (0, 0)),
            pl.BlockSpec((1, OUT_CH), lambda b, n: (0, 0)),
            pl.BlockSpec((1, OUT_CH), lambda b, n: (0, 0)),
        ],
        out_specs=pl.BlockSpec((1, OUT_CH, T2), lambda b, n: (b, 0, n)),
        out_shape=jax.ShapeDtypeStruct((B, OUT_CH, N1), jnp.float32),
    )(y, partials, gamma.reshape(1, OUT_CH), beta.reshape(1, OUT_CH))
    return out

# --- scband reference (transcript-rebuilt; emitter-appended) ---
"""Pipeline reference for scband-feature-propagation-16930761080949 (READ-ONLY COPY).

The authoritative reference and input builder live on the scoring server;
editing this copy changes nothing except your own understanding.
"""

import jax, jax.numpy as jnp
import numpy as np

B, N1, N2 = 8, 8192, 2048
C1, C2 = 128, 256
IN_CH, OUT_CH = C1 + C2, 256
K = 3
EPS_BN = 1e-5


def setup_inputs(seed: int = 0) -> dict:
    key = jax.random.key(seed)
    k1, k2, k3, k4, k5, k6, k7 = jax.random.split(key, 7)
    xyz1 = jax.random.normal(k1, (B, N1, 3), dtype=jnp.float32)
    xyz2 = jax.random.normal(k2, (B, N2, 3), dtype=jnp.float32)
    feats1 = jax.random.normal(k3, (B, C1, N1), dtype=jnp.float32)
    feats2 = jax.random.normal(k4, (B, C2, N2), dtype=jnp.float32)
    # Conv1d(in_ch, out_ch, 1, bias=False) weight, kaiming-uniform-ish init
    bound = 1.0 / np.sqrt(IN_CH)
    W = jax.random.uniform(k5, (OUT_CH, IN_CH), dtype=jnp.float32, minval=-bound, maxval=bound)
    gamma = jnp.ones((OUT_CH,), dtype=jnp.float32)
    beta = jnp.zeros((OUT_CH,), dtype=jnp.float32)
    return {"xyz1": xyz1, "xyz2": xyz2, "feats1": feats1, "feats2": feats2, "W": W, "gamma": gamma, "beta": beta}


def _cdist(a, b):
    a2 = jnp.sum(a * a, axis=-1)
    b2 = jnp.sum(b * b, axis=-1)
    d2 = a2[:, :, None] + b2[:, None, :] - 2.0 * jnp.einsum('bnd,bmd->bnm', a, b)
    return jnp.sqrt(jnp.maximum(d2, 1e-12))


def reference(xyz1, xyz2, feats1, feats2, W, gamma, beta):
    dists = _cdist(xyz1, xyz2)                       # (B, N1, N2)
    k = min(K, xyz2.shape[1])
    neg_vals, idx = jax.lax.top_k(-dists, k)         # smallest-k
    d = -neg_vals + 1e-08                            # (B, N1, k)
    w = 1.0 / d
    w = w / jnp.sum(w, axis=-1, keepdims=True)
    feats2_t = jnp.transpose(feats2, (0, 2, 1))      # (B, N2, C2)
    gathered = feats2_t[jnp.arange(xyz1.shape[0])[:, None, None], idx, :]  # (B, N1, k, C2)
    interpolated = jnp.sum(gathered * w[..., None], axis=2)                # (B, N1, C2)
    interpolated = jnp.transpose(interpolated, (0, 2, 1))                  # (B, C2, N1)
    x = jnp.concatenate([interpolated, feats1], axis=1)                    # (B, in_ch, N1)
    # SharedMLP: Conv1d(k=1, no bias) -> BatchNorm1d (training-mode batch stats) -> ReLU
    y = jnp.einsum('oi,bin->bon', W, x)
    mean = jnp.mean(y, axis=(0, 2))
    var = jnp.var(y, axis=(0, 2))
    y = (y - mean[None, :, None]) / jnp.sqrt(var[None, :, None] + EPS_BN)
    y = gamma[None, :, None] * y + beta[None, :, None]
    return jax.nn.relu(y)

if __name__ == "__main__":
    import jax
    _d = setup_inputs()
    print(jax.jit(kernel)(*tuple(_d.values())))

</pallas_src>

<mosaic_0001>
#map = affine_map<(d0, d1) -> (0, 0)>
#map1 = affine_map<(d0, d1) -> (0)>
module attributes {stable_mosaic.version = 14 : i64} {
  func.func @_sc_interp_body(%arg0: i32, %arg1: i32, %arg2: memref<16384x256xf32, #tpu.memory_space<hbm>>, %arg3: memref<196608xi32, #tpu.memory_space<hbm>>, %arg4: memref<196608x16xf32, #tpu.memory_space<hbm>>, %arg5: memref<65536x256xf32, #tpu.memory_space<hbm>>, %arg6: memref<96xi32, #tpu.memory_space<vmem>>, %arg7: memref<96x16xf32, #tpu.memory_space<vmem>>, %arg8: memref<96x256xf32, #tpu.memory_space<vmem>>, %arg9: memref<32x256xf32, #tpu.memory_space<vmem>>, %arg10: memref<!tpu.dma_semaphore, #tpu.memory_space<semaphore_mem>>) attributes {dimension_semantics = [#tpu.dimension_semantics<core_parallel>, #tpu.dimension_semantics<subcore_parallel>], iteration_bounds = array<i64: 2, 16>, scalar_prefetch = 0 : i64, scratch_operands = 5 : i64, tpu.core_type = #tpu.core_type<sc_vector_subcore>, window_params = [{transform_indices = #map}, {transform_indices = #map1}, {transform_indices = #map}, {transform_indices = #map}]} {
    %mul3A = arith.constant 2 : i32
    %mul3A_0 = arith.muli %arg1, %mul3A : i32
    %add3A = arith.addi %mul3A_0, %arg0 : i32
    %mul3A_1 = arith.constant 2048 : i32
    %mul3A_2 = arith.muli %add3A, %mul3A_1 : i32
    %scan3A = arith.constant 0 : i32
    %scan3A_3 = arith.constant 0 : i32
    %scan3A_4 = arith.constant 64 : i32
    %scan3A_5 = arith.addi %scan3A_3, %scan3A_4 : i32
    %scan3A_6 = arith.constant 1 : i32
    scf.for %scan3A_8 = %scan3A_3 to %scan3A_5 step %scan3A_6  : i32 {
      %mul3A_9 = arith.constant 32 : i32
      %mul3A_10 = arith.muli %scan3A_8, %mul3A_9 : i32
      %add3A_11 = arith.addi %mul3A_2, %mul3A_10 : i32
      %mul3A_12 = arith.constant 3 : i32
      %mul3A_13 = arith.muli %add3A_11, %mul3A_12 : i32
      "tpu.region"() ({
        %run_scoped3A = tpu.sem_alloc : memref<!tpu.dma_semaphore, #tpu.memory_space<semaphore_mem>>
        %dma_start3A_26 = tpu.memref_slice %arg3[%mul3A_13] : memref<196608xi32, #tpu.memory_space<hbm>> -> memref<96xi32, #tpu.memory_space<hbm>>
        %dma_start3A_27 = tpu.memref_slice %arg3[%mul3A_13] : memref<196608xi32, #tpu.memory_space<hbm>> -> memref<96xi32, #tpu.memory_space<hbm>>
        tpu.enqueue_dma source(%dma_start3A_27 : memref<96xi32, #tpu.memory_space<hbm>>) target(%arg6 : memref<96xi32, #tpu.memory_space<vmem>>) target_semaphore(%run_scoped3A : memref<!tpu.dma_semaphore, #tpu.memory_space<semaphore_mem>>)
        %dma_wait3A_28 = tpu.memref_slice %arg3[%mul3A_13] : memref<196608xi32, #tpu.memory_space<hbm>> -> memref<96xi32, #tpu.memory_space<hbm>>
        %dma_wait3A_29 = tpu.memref_slice %arg3[%mul3A_13] : memref<196608xi32, #tpu.memory_space<hbm>> -> memref<96xi32, #tpu.memory_space<hbm>>
        tpu.wait_dma2 semaphore(%run_scoped3A : memref<!tpu.dma_semaphore, #tpu.memory_space<semaphore_mem>>) src(%dma_wait3A_29 : memref<96xi32, #tpu.memory_space<hbm>>) dst(%arg6 : memref<96xi32, #tpu.memory_space<vmem>>)
        tpu.yield
      }) : () -> ()
      %mul3A_14 = arith.constant 3 : i32
      %mul3A_15 = arith.muli %add3A_11, %mul3A_14 : i32
      "tpu.region"() ({
        %run_scoped3A = tpu.sem_alloc : memref<!tpu.dma_semaphore, #tpu.memory_space<semaphore_mem>>
        %dma_start3A_26 = arith.constant 0 : i32
        %dma_start3A_27 = tpu.memref_slice %arg4[%mul3A_15, %dma_start3A_26] : memref<196608x16xf32, #tpu.memory_space<hbm>> -> memref<96x16xf32, #tpu.memory_space<hbm>>
        %dma_start3A_28 = arith.constant 0 : i32
        %dma_start3A_29 = tpu.memref_slice %arg4[%mul3A_15, %dma_start3A_28] : memref<196608x16xf32, #tpu.memory_space<hbm>> -> memref<96x16xf32, #tpu.memory_space<hbm>>
        tpu.enqueue_dma source(%dma_start3A_29 : memref<96x16xf32, #tpu.memory_space<hbm>>) target(%arg7 : memref<96x16xf32, #tpu.memory_space<vmem>>) target_semaphore(%run_scoped3A : memref<!tpu.dma_semaphore, #tpu.memory_space<semaphore_mem>>)
        %dma_wait3A_30 = arith.constant 0 : i32
        %dma_wait3A_31 = tpu.memref_slice %arg4[%mul3A_15, %dma_wait3A_30] : memref<196608x16xf32, #tpu.memory_space<hbm>> -> memref<96x16xf32, #tpu.memory_space<hbm>>
        %dma_wait3A_32 = arith.constant 0 : i32
        %dma_wait3A_33 = tpu.memref_slice %arg4[%mul3A_15, %dma_wait3A_32] : memref<196608x16xf32, #tpu.memory_space<hbm>> -> memref<96x16xf32, #tpu.memory_space<hbm>>
        tpu.wait_dma2 semaphore(%run_scoped3A : memref<!tpu.dma_semaphore, #tpu.memory_space<semaphore_mem>>) src(%dma_wait3A_33 : memref<96x16xf32, #tpu.memory_space<hbm>>) dst(%arg7 : memref<96x16xf32, #tpu.memory_space<vmem>>)
        tpu.yield
      }) : () -> ()
      %dma_start3A = arith.constant 0 : i32
      %dma_start3A_16 = arith.constant 0 : i32
      %dma_start3A_17 = tpu.memref_slice %arg2[%dma_start3A, %dma_start3A_16] : memref<16384x256xf32, #tpu.memory_space<hbm>> -> memref<16384x256xf32, #tpu.memory_space<hbm>>
      tpu.enqueue_indirect_dma source(%dma_start3A_17 : memref<16384x256xf32, #tpu.memory_space<hbm>>) target(%arg8 : memref<96x256xf32, #tpu.memory_space<vmem>>) offsets(%arg6 : memref<96xi32, #tpu.memory_space<vmem>>) semaphore(%arg10 : memref<!tpu.dma_semaphore, #tpu.memory_space<semaphore_mem>>)
      %dma_wait3A = arith.constant 0 : i32
      %dma_wait3A_18 = arith.constant 0 : i32
      %dma_wait3A_19 = tpu.memref_slice %arg2[%dma_wait3A, %dma_wait3A_18] : memref<16384x256xf32, #tpu.memory_space<hbm>> -> memref<16384x256xf32, #tpu.memory_space<hbm>>
      tpu.wait_indirect_dma semaphore(%arg10 : memref<!tpu.dma_semaphore, #tpu.memory_space<semaphore_mem>>) src(%dma_wait3A_19 : memref<16384x256xf32, #tpu.memory_space<hbm>>) dst(%arg8 : memref<96x256xf32, #tpu.memory_space<vmem>>)
      %scan3A_20 = arith.constant 0 : i32
      %scan3A_21 = arith.constant 0 : i32
      %scan3A_22 = arith.constant 32 : i32
      %scan3A_23 = arith.addi %scan3A_21, %scan3A_22 : i32
      %scan3A_24 = arith.constant 1 : i32
      scf.for %scan3A_26 = %scan3A_21 to %scan3A_23 step %scan3A_24  : i32 {
        %mul3A_27 = arith.constant 3 : i32
        %mul3A_28 = arith.muli %scan3A_26, %mul3A_27 : i32
        %get3A = arith.index_cast %mul3A_28 : i32 to index
        %get3A_29 = arith.constant 0 : index
        %get3A_30 = tpu.vector_load %arg7[%get3A, %get3A_29] {strides = array<i32>} : memref<96x16xf32, #tpu.memory_space<vmem>>, vector<1x16xf32>,
        %get3A_31 = vector.shape_cast %get3A_30 : vector<1x16xf32> to vector<16xf32>
        %add3A_32 = arith.constant 1 : i32
        %add3A_33 = arith.addi %mul3A_28, %add3A_32 : i32
        %get3A_34 = arith.index_cast %add3A_33 : i32 to index
        %get3A_35 = arith.constant 0 : index
        %get3A_36 = tpu.vector_load %arg7[%get3A_34, %get3A_35] {strides = array<i32>} : memref<96x16xf32, #tpu.memory_space<vmem>>, vector<1x16xf32>,
        %get3A_37 = vector.shape_cast %get3A_36 : vector<1x16xf32> to vector<16xf32>
        %add3A_38 = arith.constant 2 : i32
        %add3A_39 = arith.addi %mul3A_28, %add3A_38 : i32
        %get3A_40 = arith.index_cast %add3A_39 : i32 to index
        %get3A_41 = arith.constant 0 : index
        %get3A_42 = tpu.vector_load %arg7[%get3A_40, %get3A_41] {strides = array<i32>} : memref<96x16xf32, #tpu.memory_space<vmem>>, vector<1x16xf32>,
        %get3A_43 = vector.shape_cast %get3A_42 : vector<1x16xf32> to vector<16xf32>
        %get3A_44 = arith.index_cast %mul3A_28 : i32 to index
        %get3A_45 = arith.constant 0 : index
        %get3A_46 = tpu.vector_load %arg8[%get3A_44, %get3A_45] {strides = array<i32>} : memref<96x256xf32, #tpu.memory_space<vmem>>, vector<1x16xf32>,
        %get3A_47 = vector.shape_cast %get3A_46 : vector<1x16xf32> to vector<16xf32>
        %mul3A_48 = arith.mulf %get3A_47, %get3A_31 : vector<16xf32>
        %add3A_49 = arith.constant 1 : i32
        %add3A_50 = arith.addi %mul3A_28, %add3A_49 : i32
        %get3A_51 = arith.index_cast %add3A_50 : i32 to index
        %get3A_52 = arith.constant 0 : index
        %get3A_53 = tpu.vector_load %arg8[%get3A_51, %get3A_52] {strides = array<i32>} : memref<96x256xf32, #tpu.memory_space<vmem>>, vector<1x16xf32>,
        %get3A_54 = vector.shape_cast %get3A_53 : vector<1x16xf32> to vector<16xf32>
        %mul3A_55 = arith.mulf %get3A_54, %get3A_37 : vector<16xf32>
        %add3A_56 = arith.addf %mul3A_48, %mul3A_55 : vector<16xf32>
        %add3A_57 = arith.constant 2 : i32
        %add3A_58 = arith.addi %mul3A_28, %add3A_57 : i32
        %get3A_59 = arith.index_cast %add3A_58 : i32 to index
        %get3A_60 = arith.constant 0 : index
        %get3A_61 = tpu.vector_load %arg8[%get3A_59, %get3A_60] {strides = array<i32>} : memref<96x256xf32, #tpu.memory_space<vmem>>, vector<1x16xf32>,
        %get3A_62 = vector.shape_cast %get3A_61 : vector<1x16xf32> to vector<16xf32>
        %mul3A_63 = arith.mulf %get3A_62, %get3A_43 : vector<16xf32>
        %add3A_64 = arith.addf %add3A_56, %mul3A_63 : vector<16xf32>
        %swap3A = arith.index_cast %scan3A_26 : i32 to index
        %swap3A_65 = arith.constant 0 : index
        %swap3A_66 = tpu.vector_load %arg9[%swap3A, %swap3A_65] {strides = array<i32>} : memref<32x256xf32, #tpu.memory_space<vmem>>, vector<1x16xf32>,
        %swap3A_67 = vector.shape_cast %swap3A_66 : vector<1x16xf32> to vector<16xf32>
        %swap3A_68 = vector.shape_cast %add3A_64 : vector<16xf32> to vector<1x16xf32>
        tpu.vector_store %arg9[%swap3A, %swap3A_65], %swap3A_68 {strides = array<i32>} : memref<32x256xf32, #tpu.memory_space<vmem>>, vector<1x16xf32>,
        %get3A_69 = arith.index_cast %mul3A_28 : i32 to index
        %get3A_70 = arith.constant 16 : index
        %get3A_71 = tpu.vector_load %arg8[%get3A_69, %get3A_70] {strides = array<i32>} : memref<96x256xf32, #tpu.memory_space<vmem>>, vector<1x16xf32>,
        %get3A_72 = vector.shape_cast %get3A_71 : vector<1x16xf32> to vector<16xf32>
        %mul3A_73 = arith.mulf %get3A_72, %get3A_31 : vector<16xf32>
        %add3A_74 = arith.constant 1 : i32
        %add3A_75 = arith.addi %mul3A_28, %add3A_74 : i32
        %get3A_76 = arith.index_cast %add3A_75 : i32 to index
        %get3A_77 = arith.constant 16 : index
        %get3A_78 = tpu.vector_load %arg8[%get3A_76, %get3A_77] {strides = array<i32>} : memref<96x256xf32, #tpu.memory_space<vmem>>, vector<1x16xf32>,
        %get3A_79 = vector.shape_cast %get3A_78 : vector<1x16xf32> to vector<16xf32>
        %mul3A_80 = arith.mulf %get3A_79, %get3A_37 : vector<16xf32>
        %add3A_81 = arith.addf %mul3A_73, %mul3A_80 : vector<16xf32>
        %add3A_82 = arith.constant 2 : i32
        %add3A_83 = arith.addi %mul3A_28, %add3A_82 : i32
        %get3A_84 = arith.index_cast %add3A_83 : i32 to index
        %get3A_85 = arith.constant 16 : index
        %get3A_86 = tpu.vector_load %arg8[%get3A_84, %get3A_85] {strides = array<i32>} : memref<96x256xf32, #tpu.memory_space<vmem>>, vector<1x16xf32>,
        %get3A_87 = vector.shape_cast %get3A_86 : vector<1x16xf32> to vector<16xf32>
        %mul3A_88 = arith.mulf %get3A_87, %get3A_43 : vector<16xf32>
        %add3A_89 = arith.addf %add3A_81, %mul3A_88 : vector<16xf32>
        %swap3A_90 = arith.index_cast %scan3A_26 : i32 to index
        %swap3A_91 = arith.constant 16 : index
        %swap3A_92 = tpu.vector_load %arg9[%swap3A_90, %swap3A_91] {strides = array<i32>} : memref<32x256xf32, #tpu.memory_space<vmem>>, vector<1x16xf32>,
        %swap3A_93 = vector.shape_cast %swap3A_92 : vector<1x16xf32> to vector<16xf32>
        %swap3A_94 = vector.shape_cast %add3A_89 : vector<16xf32> to vector<1x16xf32>
        tpu.vector_store %arg9[%swap3A_90, %swap3A_91], %swap3A_94 {strides = array<i32>} : memref<32x256xf32, #tpu.memory_space<vmem>>, vector<1x16xf32>,
        %get3A_95 = arith.index_cast %mul3A_28 : i32 to index
        %get3A_96 = arith.constant 32 : index
        %get3A_97 = tpu.vector_load %arg8[%get3A_95, %get3A_96] {strides = array<i32>} : memref<96x256xf32, #tpu.memory_space<vmem>>, vector<1x16xf32>,
        %get3A_98 = vector.shape_cast %get3A_97 : vector<1x16xf32> to vector<16xf32>
        %mul3A_99 = arith.mulf %get3A_98, %get3A_31 : vector<16xf32>
        %add3A_100 = arith.constant 1 : i32
        %add3A_101 = arith.addi %mul3A_28, %add3A_100 : i32
        %get3A_102 = arith.index_cast %add3A_101 : i32 to index
        %get3A_103 = arith.constant 32 : index
        %get3A_104 = tpu.vector_load %arg8[%get3A_102, %get3A_103] {strides = array<i32>} : memref<96x256xf32, #tpu.memory_space<vmem>>, vector<1x16xf32>,
        %get3A_105 = vector.shape_cast %get3A_104 : vector<1x16xf32> to vector<16xf32>
        %mul3A_106 = arith.mulf %get3A_105, %get3A_37 : vector<16xf32>
        %add3A_107 = arith.addf %mul3A_99, %mul3A_106 : vector<16xf32>
        %add3A_108 = arith.constant 2 : i32
        %add3A_109 = arith.addi %mul3A_28, %add3A_108 : i32
        %get3A_110 = arith.index_cast %add3A_109 : i32 to index
        %get3A_111 = arith.constant 32 : index
        %get3A_112 = tpu.vector_load %arg8[%get3A_110, %get3A_111] {strides = array<i32>} : memref<96x256xf32, #tpu.memory_space<vmem>>, vector<1x16xf32>,
        %get3A_113 = vector.shape_cast %get3A_112 : vector<1x16xf32> to vector<16xf32>
        %mul3A_114 = arith.mulf %get3A_113, %get3A_43 : vector<16xf32>
        %add3A_115 = arith.addf %add3A_107, %mul3A_114 : vector<16xf32>
        %swap3A_116 = arith.index_cast %scan3A_26 : i32 to index
        %swap3A_117 = arith.constant 32 : index
        %swap3A_118 = tpu.vector_load %arg9[%swap3A_116, %swap3A_117] {strides = array<i32>} : memref<32x256xf32, #tpu.memory_space<vmem>>, vector<1x16xf32>,
        %swap3A_119 = vector.shape_cast %swap3A_118 : vector<1x16xf32> to vector<16xf32>
        %swap3A_120 = vector.shape_cast %add3A_115 : vector<16xf32> to vector<1x16xf32>
        tpu.vector_store %arg9[%swap3A_116, %swap3A_117], %swap3A_120 {strides = array<i32>} : memref<32x256xf32, #tpu.memory_space<vmem>>, vector<1x16xf32>,
        %get3A_121 = arith.index_cast %mul3A_28 : i32 to index
        %get3A_122 = arith.constant 48 : index
        %get3A_123 = tpu.vector_load %arg8[%get3A_121, %get3A_122] {strides = array<i32>} : memref<96x256xf32, #tpu.memory_space<vmem>>, vector<1x16xf32>,
        %get3A_124 = vector.shape_cast %get3A_123 : vector<1x16xf32> to vector<16xf32>
        %mul3A_125 = arith.mulf %get3A_124, %get3A_31 : vector<16xf32>
        %add3A_126 = arith.constant 1 : i32
        %add3A_127 = arith.addi %mul3A_28, %add3A_126 : i32
        %get3A_128 = arith.index_cast %add3A_127 : i32 to index
        %get3A_129 = arith.constant 48 : index
        %get3A_130 = tpu.vector_load %arg8[%get3A_128, %get3A_129] {strides = array<i32>} : memref<96x256xf32, #tpu.memory_space<vmem>>, vector<1x16xf32>,
        %get3A_131 = vector.shape_cast %get3A_130 : vector<1x16xf32> to vector<16xf32>
        %mul3A_132 = arith.mulf %get3A_131, %get3A_37 : vector<16xf32>
        %add3A_133 = arith.addf %mul3A_125, %mul3A_132 : vector<16xf32>
        %add3A_134 = arith.constant 2 : i32
        %add3A_135 = arith.addi %mul3A_28, %add3A_134 : i32
        %get3A_136 = arith.index_cast %add3A_135 : i32 to index
        %get3A_137 = arith.constant 48 : index
        %get3A_138 = tpu.vector_load %arg8[%get3A_136, %get3A_137] {strides = array<i32>} : memref<96x256xf32, #tpu.memory_space<vmem>>, vector<1x16xf32>,
        %get3A_139 = vector.shape_cast %get3A_138 : vector<1x16xf32> to vector<16xf32>
        %mul3A_140 = arith.mulf %get3A_139, %get3A_43 : vector<16xf32>
        %add3A_141 = arith.addf %add3A_133, %mul3A_140 : vector<16xf32>
        %swap3A_142 = arith.index_cast %scan3A_26 : i32 to index
        %swap3A_143 = arith.constant 48 : index
        %swap3A_144 = tpu.vector_load %arg9[%swap3A_142, %swap3A_143] {strides = array<i32>} : memref<32x256xf32, #tpu.memory_space<vmem>>, vector<1x16xf32>,
        %swap3A_145 = vector.shape_cast %swap3A_144 : vector<1x16xf32> to vector<16xf32>
        %swap3A_146 = vector.shape_cast %add3A_141 : vector<16xf32> to vector<1x16xf32>
        tpu.vector_store %arg9[%swap3A_142, %swap3A_143], %swap3A_146 {strides = array<i32>} : memref<32x256xf32, #tpu.memory_space<vmem>>, vector<1x16xf32>,
        %get3A_147 = arith.index_cast %mul3A_28 : i32 to index
        %get3A_148 = arith.constant 64 : index
        %get3A_149 = tpu.vector_load %arg8[%get3A_147, %get3A_148] {strides = array<i32>} : memref<96x256xf32, #tpu.memory_space<vmem>>, vector<1x16xf32>,
        %get3A_150 = vector.shape_cast %get3A_149 : vector<1x16xf32> to vector<16xf32>
        %mul3A_151 = arith.mulf %get3A_150, %get3A_31 : vector<16xf32>
        %add3A_152 = arith.constant 1 : i32
        %add3A_153 = arith.addi %mul3A_28, %add3A_152 : i32
        %get3A_154 = arith.index_cast %add3A_153 : i32 to index
        %get3A_155 = arith.constant 64 : index
        %get3A_156 = tpu.vector_load %arg8[%get3A_154, %get3A_155] {strides = array<i32>} : memref<96x256xf32, #tpu.memory_space<vmem>>, vector<1x16xf32>,
        %get3A_157 = vector.shape_cast %get3A_156 : vector<1x16xf32> to vector<16xf32>
        %mul3A_158 = arith.mulf %get3A_157, %get3A_37 : vector<16xf32>
        %add3A_159 = arith.addf %mul3A_151, %mul3A_158 : vector<16xf32>
        %add3A_160 = arith.constant 2 : i32
        %add3A_161 = arith.addi %mul3A_28, %add3A_160 : i32
        %get3A_162 = arith.index_cast %add3A_161 : i32 to index
        %get3A_163 = arith.constant 64 : index
        %get3A_164 = tpu.vector_load %arg8[%get3A_162, %get3A_163] {strides = array<i32>} : memref<96x256xf32, #tpu.memory_space<vmem>>, vector<1x16xf32>,
        %get3A_165 = vector.shape_cast %get3A_164 : vector<1x16xf32> to vector<16xf32>
        %mul3A_166 = arith.mulf %get3A_165, %get3A_43 : vector<16xf32>
        %add3A_167 = arith.addf %add3A_159, %mul3A_166 : vector<16xf32>
        %swap3A_168 = arith.index_cast %scan3A_26 : i32 to index
        %swap3A_169 = arith.constant 64 : index
        %swap3A_170 = tpu.vector_load %arg9[%swap3A_168, %swap3A_169] {strides = array<i32>} : memref<32x256xf32, #tpu.memory_space<vmem>>, vector<1x16xf32>,
        %swap3A_171 = vector.shape_cast %swap3A_170 : vector<1x16xf32> to vector<16xf32>
        %swap3A_172 = vector.shape_cast %add3A_167 : vector<16xf32> to vector<1x16xf32>
        tpu.vector_store %arg9[%swap3A_168, %swap3A_169], %swap3A_172 {strides = array<i32>} : memref<32x256xf32, #tpu.memory_space<vmem>>, vector<1x16xf32>,
        %get3A_173 = arith.index_cast %mul3A_28 : i32 to index
        %get3A_174 = arith.constant 80 : index
        %get3A_175 = tpu.vector_load %arg8[%get3A_173, %get3A_174] {strides = array<i32>} : memref<96x256xf32, #tpu.memory_space<vmem>>, vector<1x16xf32>,
        %get3A_176 = vector.shape_cast %get3A_175 : vector<1x16xf32> to vector<16xf32>
        %mul3A_177 = arith.mulf %get3A_176, %get3A_31 : vector<16xf32>
        %add3A_178 = arith.constant 1 : i32
        %add3A_179 = arith.addi %mul3A_28, %add3A_178 : i32
        %get3A_180 = arith.index_cast %add3A_179 : i32 to index
        %get3A_181 = arith.constant 80 : index
        %get3A_182 = tpu.vector_load %arg8[%get3A_180, %get3A_181] {strides = array<i32>} : memref<96x256xf32, #tpu.memory_space<vmem>>, vector<1x16xf32>,
        %get3A_183 = vector.shape_cast %get3A_182 : vector<1x16xf32> to vector<16xf32>
        %mul3A_184 = arith.mulf %get3A_183, %get3A_37 : vector<16xf32>
        %add3A_185 = arith.addf %mul3A_177, %mul3A_184 : vector<16xf32>
        %add3A_186 = arith.constant 2 : i32
        %add3A_187 = arith.addi %mul3A_28, %add3A_186 : i32
        %get3A_188 = arith.index_cast %add3A_187 : i32 to index
        %get3A_189 = arith.constant 80 : index
        %get3A_190 = tpu.vector_load %arg8[%get3A_188, %get3A_189] {strides = array<i32>} : memref<96x256xf32, #tpu.memory_space<vmem>>, vector<1x16xf32>,
        %get3A_191 = vector.shape_cast %get3A_190 : vector<1x16xf32> to vector<16xf32>
        %mul3A_192 = arith.mulf %get3A_191, %get3A_43 : vector<16xf32>
        %add3A_193 = arith.addf %add3A_185, %mul3A_192 : vector<16xf32>
        %swap3A_194 = arith.index_cast %scan3A_26 : i32 to index
        %swap3A_195 = arith.constant 80 : index
        %swap3A_196 = tpu.vector_load %arg9[%swap3A_194, %swap3A_195] {strides = array<i32>} : memref<32x256xf32, #tpu.memory_space<vmem>>, vector<1x16xf32>,
        %swap3A_197 = vector.shape_cast %swap3A_196 : vector<1x16xf32> to vector<16xf32>
        %swap3A_198 = vector.shape_cast %add3A_193 : vector<16xf32> to vector<1x16xf32>
        tpu.vector_store %arg9[%swap3A_194, %swap3A_195], %swap3A_198 {strides = array<i32>} : memref<32x256xf32, #tpu.memory_space<vmem>>, vector<1x16xf32>,
        %get3A_199 = arith.index_cast %mul3A_28 : i32 to index
        %get3A_200 = arith.constant 96 : index
        %get3A_201 = tpu.vector_load %arg8[%get3A_199, %get3A_200] {strides = array<i32>} : memref<96x256xf32, #tpu.memory_space<vmem>>, vector<1x16xf32>,
        %get3A_202 = vector.shape_cast %get3A_201 : vector<1x16xf32> to vector<16xf32>
        %mul3A_203 = arith.mulf %get3A_202, %get3A_31 : vector<16xf32>
        %add3A_204 = arith.constant 1 : i32
        %add3A_205 = arith.addi %mul3A_28, %add3A_204 : i32
        %get3A_206 = arith.index_cast %add3A_205 : i32 to index
        %get3A_207 = arith.constant 96 : index
        %get3A_208 = tpu.vector_load %arg8[%get3A_206, %get3A_207] {strides = array<i32>} : memref<96x256xf32, #tpu.memory_space<vmem>>, vector<1x16xf32>,
        %get3A_209 = vector.shape_cast %get3A_208 : vector<1x16xf32> to vector<16xf32>
        %mul3A_210 = arith.mulf %get3A_209, %get3A_37 : vector<16xf32>
        %add3A_211 = arith.addf %mul3A_203, %mul3A_210 : vector<16xf32>
        %add3A_212 = arith.constant 2 : i32
        %add3A_213 = arith.addi %mul3A_28, %add3A_212 : i32
        %get3A_214 = arith.index_cast %add3A_213 : i32 to index
        %get3A_215 = arith.constant 96 : index
        %get3A_216 = tpu.vector_load %arg8[%get3A_214, %get3A_215] {strides = array<i32>} : memref<96x256xf32, #tpu.memory_space<vmem>>, vector<1x16xf32>,
        %get3A_217 = vector.shape_cast %get3A_216 : vector<1x16xf32> to vector<16xf32>
        %mul3A_218 = arith.mulf %get3A_217, %get3A_43 : vector<16xf32>
        %add3A_219 = arith.addf %add3A_211, %mul3A_218 : vector<16xf32>
        %swap3A_220 = arith.index_cast %scan3A_26 : i32 to index
        %swap3A_221 = arith.constant 96 : index
        %swap3A_222 = tpu.vector_load %arg9[%swap3A_220, %swap3A_221] {strides = array<i32>} : memref<32x256xf32, #tpu.memory_space<vmem>>, vector<1x16xf32>,
        %swap3A_223 = vector.shape_cast %swap3A_222 : vector<1x16xf32> to vector<16xf32>
        %swap3A_224 = vector.shape_cast %add3A_219 : vector<16xf32> to vector<1x16xf32>
        tpu.vector_store %arg9[%swap3A_220, %swap3A_221], %swap3A_224 {strides = array<i32>} : memref<32x256xf32, #tpu.memory_space<vmem>>, vector<1x16xf32>,
        %get3A_225 = arith.index_cast %mul3A_28 : i32 to index
        %get3A_226 = arith.constant 112 : index
        %get3A_227 = tpu.vector_load %arg8[%get3A_225, %get3A_226] {strides = array<i32>} : memref<96x256xf32, #tpu.memory_space<vmem>>, vector<1x16xf32>,
        %get3A_228 = vector.shape_cast %get3A_227 : vector<1x16xf32> to vector<16xf32>
        %mul3A_229 = arith.mulf %get3A_228, %get3A_31 : vector<16xf32>
        %add3A_230 = arith.constant 1 : i32
        %add3A_231 = arith.addi %mul3A_28, %add3A_230 : i32
        %get3A_232 = arith.index_cast %add3A_231 : i32 to index
        %get3A_233 = arith.constant 112 : index
        %get3A_234 = tpu.vector_load %arg8[%get3A_232, %get3A_233] {strides = array<i32>} : memref<96x256xf32, #tpu.memory_space<vmem>>, vector<1x16xf32>,
        %get3A_235 = vector.shape_cast %get3A_234 : vector<1x16xf32> to vector<16xf32>
        %mul3A_236 = arith.mulf %get3A_235, %get3A_37 : vector<16xf32>
        %add3A_237 = arith.addf %mul3A_229, %mul3A_236 : vector<16xf32>
        %add3A_238 = arith.constant 2 : i32
        %add3A_239 = arith.addi %mul3A_28, %add3A_238 : i32
        %get3A_240 = arith.index_cast %add3A_239 : i32 to index
        %get3A_241 = arith.constant 112 : index
        %get3A_242 = tpu.vector_load %arg8[%get3A_240, %get3A_241] {strides = array<i32>} : memref<96x256xf32, #tpu.memory_space<vmem>>, vector<1x16xf32>,
        %get3A_243 = vector.shape_cast %get3A_242 : vector<1x16xf32> to vector<16xf32>
        %mul3A_244 = arith.mulf %get3A_243, %get3A_43 : vector<16xf32>
        %add3A_245 = arith.addf %add3A_237, %mul3A_244 : vector<16xf32>
        %swap3A_246 = arith.index_cast %scan3A_26 : i32 to index
        %swap3A_247 = arith.constant 112 : index
        %swap3A_248 = tpu.vector_load %arg9[%swap3A_246, %swap3A_247] {strides = array<i32>} : memref<32x256xf32, #tpu.memory_space<vmem>>, vector<1x16xf32>,
        %swap3A_249 = vector.shape_cast %swap3A_248 : vector<1x16xf32> to vector<16xf32>
        %swap3A_250 = vector.shape_cast %add3A_245 : vector<16xf32> to vector<1x16xf32>
        tpu.vector_store %arg9[%swap3A_246, %swap3A_247], %swap3A_250 {strides = array<i32>} : memref<32x256xf32, #tpu.memory_space<vmem>>, vector<1x16xf32>,
        %get3A_251 = arith.index_cast %mul3A_28 : i32 to index
        %get3A_252 = arith.constant 128 : index
        %get3A_253 = tpu.vector_load %arg8[%get3A_251, %get3A_252] {strides = array<i32>} : memref<96x256xf32, #tpu.memory_space<vmem>>, vector<1x16xf32>,
        %get3A_254 = vector.shape_cast %get3A_253 : vector<1x16xf32> to vector<16xf32>
        %mul3A_255 = arith.mulf %get3A_254, %get3A_31 : vector<16xf32>
        %add3A_256 = arith.constant 1 : i32
        %add3A_257 = arith.addi %mul3A_28, %add3A_256 : i32
        %get3A_258 = arith.index_cast %add3A_257 : i32 to index
        %get3A_259 = arith.constant 128 : index
        %get3A_260 = tpu.vector_load %arg8[%get3A_258, %get3A_259] {strides = array<i32>} : memref<96x256xf32, #tpu.memory_space<vmem>>, vector<1x16xf32>,
        %get3A_261 = vector.shape_cast %get3A_260 : vector<1x16xf32> to vector<16xf32>
        %mul3A_262 = arith.mulf %get3A_261, %get3A_37 : vector<16xf32>
        %add3A_263 = arith.addf %mul3A_255, %mul3A_262 : vector<16xf32>
        %add3A_264 = arith.constant 2 : i32
        %add3A_265 = arith.addi %mul3A_28, %add3A_264 : i32
        %get3A_266 = arith.index_cast %add3A_265 : i32 to index
        %get3A_267 = arith.constant 128 : index
        %get3A_268 = tpu.vector_load %arg8[%get3A_266, %get3A_267] {strides = array<i32>} : memref<96x256xf32, #tpu.memory_space<vmem>>, vector<1x16xf32>,
        %get3A_269 = vector.shape_cast %get3A_268 : vector<1x16xf32> to vector<16xf32>
        %mul3A_270 = arith.mulf %get3A_269, %get3A_43 : vector<16xf32>
        %add3A_271 = arith.addf %add3A_263, %mul3A_270 : vector<16xf32>
        %swap3A_272 = arith.index_cast %scan3A_26 : i32 to index
        %swap3A_273 = arith.constant 128 : index
        %swap3A_274 = tpu.vector_load %arg9[%swap3A_272, %swap3A_273] {strides = array<i32>} : memref<32x256xf32, #tpu.memory_space<vmem>>, vector<1x16xf32>,
        %swap3A_275 = vector.shape_cast %swap3A_274 : vector<1x16xf32> to vector<16xf32>
        %swap3A_276 = vector.shape_cast %add3A_271 : vector<16xf32> to vector<1x16xf32>
        tpu.vector_store %arg9[%swap3A_272, %swap3A_273], %swap3A_276 {strides = array<i32>} : memref<32x256xf32, #tpu.memory_space<vmem>>, vector<1x16xf32>,
        %get3A_277 = arith.index_cast %mul3A_28 : i32 to index
        %get3A_278 = arith.constant 144 : index
        %get3A_279 = tpu.vector_load %arg8[%get3A_277, %get3A_278] {strides = array<i32>} : memref<96x256xf32, #tpu.memory_space<vmem>>, vector<1x16xf32>,
        %get3A_280 = vector.shape_cast %get3A_279 : vector<1x16xf32> to vector<16xf32>
        %mul3A_281 = arith.mulf %get3A_280, %get3A_31 : vector<16xf32>
        %add3A_282 = arith.constant 1 : i32
        %add3A_283 = arith.addi %mul3A_28, %add3A_282 : i32
        %get3A_284 = arith.index_cast %add3A_283 : i32 to index
        %get3A_285 = arith.constant 144 : index
        %get3A_286 = tpu.vector_load %arg8[%get3A_284, %get3A_285] {strides = array<i32>} : memref<96x256xf32, #tpu.memory_space<vmem>>, vector<1x16xf32>,
        %get3A_287 = vector.shape_cast %get3A_286 : vector<1x16xf32> to vector<16xf32>
        %mul3A_288 = arith.mulf %get3A_287, %get3A_37 : vector<16xf32>
        %add3A_289 = arith.addf %mul3A_281, %mul3A_288 : vector<16xf32>
        %add3A_290 = arith.constant 2 : i32
        %add3A_291 = arith.addi %mul3A_28, %add3A_290 : i32
        %get3A_292 = arith.index_cast %add3A_291 : i32 to index
        %get3A_293 = arith.constant 144 : index
        %get3A_294 = tpu.vector_load %arg8[%get3A_292, %get3A_293] {strides = array<i32>} : memref<96x256xf32, #tpu.memory_space<vmem>>, vector<1x16xf32>,
        %get3A_295 = vector.shape_cast %get3A_294 : vector<1x16xf32> to vector<16xf32>
        %mul3A_296 = arith.mulf %get3A_295, %get3A_43 : vector<16xf32>
        %add3A_297 = arith.addf %add3A_289, %mul3A_296 : vector<16xf32>
        %swap3A_298 = arith.index_cast %scan3A_26 : i32 to index
        %swap3A_299 = arith.constant 144 : index
        %swap3A_300 = tpu.vector_load %arg9[%swap3A_298, %swap3A_299] {strides = array<i32>} : memref<32x256xf32, #tpu.memory_space<vmem>>, vector<1x16xf32>,
        %swap3A_301 = vector.shape_cast %swap3A_300 : vector<1x16xf32> to vector<16xf32>
        %swap3A_302 = vector.shape_cast %add3A_297 : vector<16xf32> to vector<1x16xf32>
        tpu.vector_store %arg9[%swap3A_298, %swap3A_299], %swap3A_302 {strides = array<i32>} : memref<32x256xf32, #tpu.memory_space<vmem>>, vector<1x16xf32>,
        %get3A_303 = arith.index_cast %mul3A_28 : i32 to index
        %get3A_304 = arith.constant 160 : index
        %get3A_305 = tpu.vector_load %arg8[%get3A_303, %get3A_304] {strides = array<i32>} : memref<96x256xf32, #tpu.memory_space<vmem>>, vector<1x16xf32>,
        %get3A_306 = vector.shape_cast %get3A_305 : vector<1x16xf32> to vector<16xf32>
        %mul3A_307 = arith.mulf %get3A_306, %get3A_31 : vector<16xf32>
        %add3A_308 = arith.constant 1 : i32
        %add3A_309 = arith.addi %mul3A_28, %add3A_308 : i32
        %get3A_310 = arith.index_cast %add3A_309 : i32 to index
        %get3A_311 = arith.constant 160 : index
        %get3A_312 = tpu.vector_load %arg8[%get3A_310, %get3A_311] {strides = array<i32>} : memref<96x256xf32, #tpu.memory_space<vmem>>, vector<1x16xf32>,
        %get3A_313 = vector.shape_cast %get3A_312 : vector<1x16xf32> to vector<16xf32>
        %mul3A_314 = arith.mulf %get3A_313, %get3A_37 : vector<16xf32>
        %add3A_315 = arith.addf %mul3A_307, %mul3A_314 : vector<16xf32>
        %add3A_316 = arith.constant 2 : i32
        %add3A_317 = arith.addi %mul3A_28, %add3A_316 : i32
        %get3A_318 = arith.index_cast %add3A_317 : i32 to index
        %get3A_319 = arith.constant 160 : index
        %get3A_320 = tpu.vector_load %arg8[%get3A_318, %get3A_319] {strides = array<i32>} : memref<96x256xf32, #tpu.memory_space<vmem>>, vector<1x16xf32>,
        %get3A_321 = vector.shape_cast %get3A_320 : vector<1x16xf32> to vector<16xf32>
        %mul3A_322 = arith.mulf %get3A_321, %get3A_43 : vector<16xf32>
        %add3A_323 = arith.addf %add3A_315, %mul3A_322 : vector<16xf32>
        %swap3A_324 = arith.index_cast %scan3A_26 : i32 to index
        %swap3A_325 = arith.constant 160 : index
        %swap3A_326 = tpu.vector_load %arg9[%swap3A_324, %swap3A_325] {strides = array<i32>} : memref<32x256xf32, #tpu.memory_space<vmem>>, vector<1x16xf32>,
        %swap3A_327 = vector.shape_cast %swap3A_326 : vector<1x16xf32> to vector<16xf32>
        %swap3A_328 = vector.shape_cast %add3A_323 : vector<16xf32> to vector<1x16xf32>
        tpu.vector_store %arg9[%swap3A_324, %swap3A_325], %swap3A_328 {strides = array<i32>} : memref<32x256xf32, #tpu.memory_space<vmem>>, vector<1x16xf32>,
        %get3A_329 = arith.index_cast %mul3A_28 : i32 to index
        %get3A_330 = arith.constant 176 : index
        %get3A_331 = tpu.vector_load %arg8[%get3A_329, %get3A_330] {strides = array<i32>} : memref<96x256xf32, #tpu.memory_space<vmem>>, vector<1x16xf32>,
        %get3A_332 = vector.shape_cast %get3A_331 : vector<1x16xf32> to vector<16xf32>
        %mul3A_333 = arith.mulf %get3A_332, %get3A_31 : vector<16xf32>
        %add3A_334 = arith.constant 1 : i32
        %add3A_335 = arith.addi %mul3A_28, %add3A_334 : i32
        %get3A_336 = arith.index_cast %add3A_335 : i32 to index
        %get3A_337 = arith.constant 176 : index
        %get3A_338 = tpu.vector_load %arg8[%get3A_336, %get3A_337] {strides = array<i32>} : memref<96x256xf32, #tpu.memory_space<vmem>>, vector<1x16xf32>,
        %get3A_339 = vector.shape_cast %get3A_338 : vector<1x16xf32> to vector<16xf32>
        %mul3A_340 = arith.mulf %get3A_339, %get3A_37 : vector<16xf32>
        %add3A_341 = arith.addf %mul3A_333, %mul3A_340 : vector<16xf32>
        %add3A_342 = arith.constant 2 : i32
        %add3A_343 = arith.addi %mul3A_28, %add3A_342 : i32
        %get3A_344 = arith.index_cast %add3A_343 : i32 to index
        %get3A_345 = arith.constant 176 : index
        %get3A_346 = tpu.vector_load %arg8[%get3A_344, %get3A_345] {strides = array<i32>} : memref<96x256xf32, #tpu.memory_space<vmem>>, vector<1x16xf32>,
        %get3A_347 = vector.shape_cast %get3A_346 : vector<1x16xf32> to vector<16xf32>
        %mul3A_348 = arith.mulf %get3A_347, %get3A_43 : vector<16xf32>
        %add3A_349 = arith.addf %add3A_341, %mul3A_348 : vector<16xf32>
        %swap3A_350 = arith.index_cast %scan3A_26 : i32 to index
        %swap3A_351 = arith.constant 176 : index
        %swap3A_352 = tpu.vector_load %arg9[%swap3A_350, %swap3A_351] {strides = array<i32>} : memref<32x256xf32, #tpu.memory_space<vmem>>, vector<1x16xf32>,
        %swap3A_353 = vector.shape_cast %swap3A_352 : vector<1x16xf32> to vector<16xf32>
        %swap3A_354 = vector.shape_cast %add3A_349 : vector<16xf32> to vector<1x16xf32>
        tpu.vector_store %arg9[%swap3A_350, %swap3A_351], %swap3A_354 {strides = array<i32>} : memref<32x256xf32, #tpu.memory_space<vmem>>, vector<1x16xf32>,
        %get3A_355 = arith.index_cast %mul3A_28 : i32 to index
        %get3A_356 = arith.constant 192 : index
        %get3A_357 = tpu.vector_load %arg8[%get3A_355, %get3A_356] {strides = array<i32>} : memref<96x256xf32, #tpu.memory_space<vmem>>, vector<1x16xf32>,
        %get3A_358 = vector.shape_cast %get3A_357 : vector<1x16xf32> to vector<16xf32>
        %mul3A_359 = arith.mulf %get3A_358, %get3A_31 : vector<16xf32>
        %add3A_360 = arith.constant 1 : i32
        %add3A_361 = arith.addi %mul3A_28, %add3A_360 : i32
        %get3A_362 = arith.index_cast %add3A_361 : i32 to index
        %get3A_363 = arith.constant 192 : index
        %get3A_364 = tpu.vector_load %arg8[%get3A_362, %get3A_363] {strides = array<i32>} : memref<96x256xf32, #tpu.memory_space<vmem>>, vector<1x16xf32>,
        %get3A_365 = vector.shape_cast %get3A_364 : vector<1x16xf32> to vector<16xf32>
        %mul3A_366 = arith.mulf %get3A_365, %get3A_37 : vector<16xf32>
        %add3A_367 = arith.addf %mul3A_359, %mul3A_366 : vector<16xf32>
        %add3A_368 = arith.constant 2 : i32
        %add3A_369 = arith.addi %mul3A_28, %add3A_368 : i32
        %get3A_370 = arith.index_cast %add3A_369 : i32 to index
        %get3A_371 = arith.constant 192 : index
        %get3A_372 = tpu.vector_load %arg8[%get3A_370, %get3A_371] {strides = array<i32>} : memref<96x256xf32, #tpu.memory_space<vmem>>, vector<1x16xf32>,
        %get3A_373 = vector.shape_cast %get3A_372 : vector<1x16xf32> to vector<16xf32>
        %mul3A_374 = arith.mulf %get3A_373, %get3A_43 : vector<16xf32>
        %add3A_375 = arith.addf %add3A_367, %mul3A_374 : vector<16xf32>
        %swap3A_376 = arith.index_cast %scan3A_26 : i32 to index
        %swap3A_377 = arith.constant 192 : index
        %swap3A_378 = tpu.vector_load %arg9[%swap3A_376, %swap3A_377] {strides = array<i32>} : memref<32x256xf32, #tpu.memory_space<vmem>>, vector<1x16xf32>,
        %swap3A_379 = vector.shape_cast %swap3A_378 : vector<1x16xf32> to vector<16xf32>
        %swap3A_380 = vector.shape_cast %add3A_375 : vector<16xf32> to vector<1x16xf32>
        tpu.vector_store %arg9[%swap3A_376, %swap3A_377], %swap3A_380 {strides = array<i32>} : memref<32x256xf32, #tpu.memory_space<vmem>>, vector<1x16xf32>,
        %get3A_381 = arith.index_cast %mul3A_28 : i32 to index
        %get3A_382 = arith.constant 208 : index
        %get3A_383 = tpu.vector_load %arg8[%get3A_381, %get3A_382] {strides = array<i32>} : memref<96x256xf32, #tpu.memory_space<vmem>>, vector<1x16xf32>,
        %get3A_384 = vector.shape_cast %get3A_383 : vector<1x16xf32> to vector<16xf32>
        %mul3A_385 = arith.mulf %get3A_384, %get3A_31 : vector<16xf32>
        %add3A_386 = arith.constant 1 : i32
        %add3A_387 = arith.addi %mul3A_28, %add3A_386 : i32
        %get3A_388 = arith.index_cast %add3A_387 : i32 to index
        %get3A_389 = arith.constant 208 : index
        %get3A_390 = tpu.vector_load %arg8[%get3A_388, %get3A_389] {strides = array<i32>} : memref<96x256xf32, #tpu.memory_space<vmem>>, vector<1x16xf32>,
        %get3A_391 = vector.shape_cast %get3A_390 : vector<1x16xf32> to vector<16xf32>
        %mul3A_392 = arith.mulf %get3A_391, %get3A_37 : vector<16xf32>
        %add3A_393 = arith.addf %mul3A_385, %mul3A_392 : vector<16xf32>
        %add3A_394 = arith.constant 2 : i32
        %add3A_395 = arith.addi %mul3A_28, %add3A_394 : i32
        %get3A_396 = arith.index_cast %add3A_395 : i32 to index
        %get3A_397 = arith.constant 208 : index
        %get3A_398 = tpu.vector_load %arg8[%get3A_396, %get3A_397] {strides = array<i32>} : memref<96x256xf32, #tpu.memory_space<vmem>>, vector<1x16xf32>,
        %get3A_399 = vector.shape_cast %get3A_398 : vector<1x16xf32> to vector<16xf32>
        %mul3A_400 = arith.mulf %get3A_399, %get3A_43 : vector<16xf32>
        %add3A_401 = arith.addf %add3A_393, %mul3A_400 : vector<16xf32>
        %swap3A_402 = arith.index_cast %scan3A_26 : i32 to index
        %swap3A_403 = arith.constant 208 : index
        %swap3A_404 = tpu.vector_load %arg9[%swap3A_402, %swap3A_403] {strides = array<i32>} : memref<32x256xf32, #tpu.memory_space<vmem>>, vector<1x16xf32>,
        %swap3A_405 = vector.shape_cast %swap3A_404 : vector<1x16xf32> to vector<16xf32>
        %swap3A_406 = vector.shape_cast %add3A_401 : vector<16xf32> to vector<1x16xf32>
        tpu.vector_store %arg9[%swap3A_402, %swap3A_403], %swap3A_406 {strides = array<i32>} : memref<32x256xf32, #tpu.memory_space<vmem>>, vector<1x16xf32>,
        %get3A_407 = arith.index_cast %mul3A_28 : i32 to index
        %get3A_408 = arith.constant 224 : index
        %get3A_409 = tpu.vector_load %arg8[%get3A_407, %get3A_408] {strides = array<i32>} : memref<96x256xf32, #tpu.memory_space<vmem>>, vector<1x16xf32>,
        %get3A_410 = vector.shape_cast %get3A_409 : vector<1x16xf32> to vector<16xf32>
        %mul3A_411 = arith.mulf %get3A_410, %get3A_31 : vector<16xf32>
        %add3A_412 = arith.constant 1 : i32
        %add3A_413 = arith.addi %mul3A_28, %add3A_412 : i32
        %get3A_414 = arith.index_cast %add3A_413 : i32 to index
        %get3A_415 = arith.constant 224 : index
        %get3A_416 = tpu.vector_load %arg8[%get3A_414, %get3A_415] {strides = array<i32>} : memref<96x256xf32, #tpu.memory_space<vmem>>, vector<1x16xf32>,
        %get3A_417 = vector.shape_cast %get3A_416 : vector<1x16xf32> to vector<16xf32>
        %mul3A_418 = arith.mulf %get3A_417, %get3A_37 : vector<16xf32>
        %add3A_419 = arith.addf %mul3A_411, %mul3A_418 : vector<16xf32>
        %add3A_420 = arith.constant 2 : i32
        %add3A_421 = arith.addi %mul3A_28, %add3A_420 : i32
        %get3A_422 = arith.index_cast %add3A_421 : i32 to index
        %get3A_423 = arith.constant 224 : index
        %get3A_424 = tpu.vector_load %arg8[%get3A_422, %get3A_423] {strides = array<i32>} : memref<96x256xf32, #tpu.memory_space<vmem>>, vector<1x16xf32>,
        %get3A_425 = vector.shape_cast %get3A_424 : vector<1x16xf32> to vector<16xf32>
        %mul3A_426 = arith.mulf %get3A_425, %get3A_43 : vector<16xf32>
        %add3A_427 = arith.addf %add3A_419, %mul3A_426 : vector<16xf32>
        %swap3A_428 = arith.index_cast %scan3A_26 : i32 to index
        %swap3A_429 = arith.constant 224 : index
        %swap3A_430 = tpu.vector_load %arg9[%swap3A_428, %swap3A_429] {strides = array<i32>} : memref<32x256xf32, #tpu.memory_space<vmem>>, vector<1x16xf32>,
        %swap3A_431 = vector.shape_cast %swap3A_430 : vector<1x16xf32> to vector<16xf32>
        %swap3A_432 = vector.shape_cast %add3A_427 : vector<16xf32> to vector<1x16xf32>
        tpu.vector_store %arg9[%swap3A_428, %swap3A_429], %swap3A_432 {strides = array<i32>} : memref<32x256xf32, #tpu.memory_space<vmem>>, vector<1x16xf32>,
        %get3A_433 = arith.index_cast %mul3A_28 : i32 to index
        %get3A_434 = arith.constant 240 : index
        %get3A_435 = tpu.vector_load %arg8[%get3A_433, %get3A_434] {strides = array<i32>} : memref<96x256xf32, #tpu.memory_space<vmem>>, vector<1x16xf32>,
        %get3A_436 = vector.shape_cast %get3A_435 : vector<1x16xf32> to vector<16xf32>
        %mul3A_437 = arith.mulf %get3A_436, %get3A_31 : vector<16xf32>
        %add3A_438 = arith.constant 1 : i32
        %add3A_439 = arith.addi %mul3A_28, %add3A_438 : i32
        %get3A_440 = arith.index_cast %add3A_439 : i32 to index
        %get3A_441 = arith.constant 240 : index
        %get3A_442 = tpu.vector_load %arg8[%get3A_440, %get3A_441] {strides = array<i32>} : memref<96x256xf32, #tpu.memory_space<vmem>>, vector<1x16xf32>,
        %get3A_443 = vector.shape_cast %get3A_442 : vector<1x16xf32> to vector<16xf32>
        %mul3A_444 = arith.mulf %get3A_443, %get3A_37 : vector<16xf32>
        %add3A_445 = arith.addf %mul3A_437, %mul3A_444 : vector<16xf32>
        %add3A_446 = arith.constant 2 : i32
        %add3A_447 = arith.addi %mul3A_28, %add3A_446 : i32
        %get3A_448 = arith.index_cast %add3A_447 : i32 to index
        %get3A_449 = arith.constant 240 : index
        %get3A_450 = tpu.vector_load %arg8[%get3A_448, %get3A_449] {strides = array<i32>} : memref<96x256xf32, #tpu.memory_space<vmem>>, vector<1x16xf32>,
        %get3A_451 = vector.shape_cast %get3A_450 : vector<1x16xf32> to vector<16xf32>
        %mul3A_452 = arith.mulf %get3A_451, %get3A_43 : vector<16xf32>
        %add3A_453 = arith.addf %add3A_445, %mul3A_452 : vector<16xf32>
        %swap3A_454 = arith.index_cast %scan3A_26 : i32 to index
        %swap3A_455 = arith.constant 240 : index
        %swap3A_456 = tpu.vector_load %arg9[%swap3A_454, %swap3A_455] {strides = array<i32>} : memref<32x256xf32, #tpu.memory_space<vmem>>, vector<1x16xf32>,
        %swap3A_457 = vector.shape_cast %swap3A_456 : vector<1x16xf32> to vector<16xf32>
        %swap3A_458 = vector.shape_cast %add3A_453 : vector<16xf32> to vector<1x16xf32>
        tpu.vector_store %arg9[%swap3A_454, %swap3A_455], %swap3A_458 {strides = array<i32>} : memref<32x256xf32, #tpu.memory_space<vmem>>, vector<1x16xf32>,
      }
      %scan3A_25 = arith.constant 32 : i32
      "tpu.region"() ({
        %run_scoped3A = tpu.sem_alloc : memref<!tpu.dma_semaphore, #tpu.memory_space<semaphore_mem>>
        %dma_start3A_26 = arith.constant 0 : i32
        %dma_start3A_27 = tpu.memref_slice %arg5[%add3A_11, %dma_start3A_26] : memref<65536x256xf32, #tpu.memory_space<hbm>> -> memref<32x256xf32, #tpu.memory_space<hbm>>
        %dma_start3A_28 = arith.constant 0 : i32
        %dma_start3A_29 = tpu.memref_slice %arg5[%add3A_11, %dma_start3A_28] : memref<65536x256xf32, #tpu.memory_space<hbm>> -> memref<32x256xf32, #tpu.memory_space<hbm>>
        tpu.enqueue_dma source(%arg9 : memref<32x256xf32, #tpu.memory_space<vmem>>) target(%dma_start3A_29 : memref<32x256xf32, #tpu.memory_space<hbm>>) target_semaphore(%run_scoped3A : memref<!tpu.dma_semaphore, #tpu.memory_space<semaphore_mem>>)
        %dma_wait3A_30 = arith.constant 0 : i32
        %dma_wait3A_31 = tpu.memref_slice %arg5[%add3A_11, %dma_wait3A_30] : memref<65536x256xf32, #tpu.memory_space<hbm>> -> memref<32x256xf32, #tpu.memory_space<hbm>>
        %dma_wait3A_32 = arith.constant 0 : i32
        %dma_wait3A_33 = tpu.memref_slice %arg5[%add3A_11, %dma_wait3A_32] : memref<65536x256xf32, #tpu.memory_space<hbm>> -> memref<32x256xf32, #tpu.memory_space<hbm>>
        tpu.wait_dma2 semaphore(%run_scoped3A : memref<!tpu.dma_semaphore, #tpu.memory_space<semaphore_mem>>) src(%arg9 : memref<32x256xf32, #tpu.memory_space<vmem>>) dst(%dma_wait3A_33 : memref<32x256xf32, #tpu.memory_space<hbm>>)
        tpu.yield
      }) : () -> ()
    }
    %scan3A_7 = arith.constant 64 : i32
    return
  }
}

module attributes {stable_mosaic.version = 14 : i64} {
  func.func @_passA_body(%arg0: i32, %arg1: i32, %arg2: memref<1x2048x3xf32, #tpu.memory_space<vmem>>, %arg3: memref<1x2048x3xf32, #tpu.memory_space<vmem>>, %arg4: memref<1x2048x3xi32, #tpu.memory_space<vmem>>, %arg5: memref<1x2048x3x16xf32, #tpu.memory_space<vmem>>) attributes {dimension_semantics = [#tpu.dimension_semantics<arbitrary>, #tpu.dimension_semantics<arbitrary>], iteration_bounds = array<i64: 8, 4>, scalar_prefetch = 0 : i64, scratch_operands = 0 : i64, tpu.core_type = #tpu.core_type<tc>, window_params = [{transform_indices = @transform_0, window_bounds = array<i64: 1, 2048, 3>}, {transform_indices = @transform_1, window_bounds = array<i64: 1, 2048, 3>}, {transform_indices = @transform_2, window_bounds = array<i64: 1, 2048, 3>}, {transform_indices = @transform_3, window_bounds = array<i64: 1, 2048, 3, 16>}]} {
    %get3A = arith.constant 0 : index
    %get3A_0 = arith.constant 0 : index
    %get3A_1 = arith.constant 0 : index
    %get3A_2 = vector.load %arg2[%get3A, %get3A_0, %get3A_1] : memref<1x2048x3xf32, #tpu.memory_space<vmem>>, vector<1x2048x3xf32>
    %get3A_3 = vector.shape_cast %get3A_2 : vector<1x2048x3xf32> to vector<2048x3xf32>
    %get3A_4 = arith.constant 0 : index
    %get3A_5 = arith.constant 0 : index
    %get3A_6 = arith.constant 0 : index
    %get3A_7 = vector.load %arg3[%get3A_4, %get3A_5, %get3A_6] : memref<1x2048x3xf32, #tpu.memory_space<vmem>>, vector<1x2048x3xf32>
    %get3A_8 = vector.shape_cast %get3A_7 : vector<1x2048x3xf32> to vector<2048x3xf32>
    %mul3A = arith.mulf %get3A_3, %get3A_3 : vector<2048x3xf32>
    %reduce_sum3A = arith.constant dense<0.000000e+00> : vector<2048xf32>
    %reduce_sum3A_9 = vector.multi_reduction <add>, %mul3A, %reduce_sum3A [1] : vector<2048x3xf32> to vector<2048xf32>
    %broadcast_in_dim3A = vector.shape_cast %reduce_sum3A_9 : vector<2048xf32> to vector<2048x1xf32>
    %mul3A_10 = arith.mulf %get3A_8, %get3A_8 : vector<2048x3xf32>
    %reduce_sum3A_11 = arith.constant dense<0.000000e+00> : vector<2048xf32>
    %reduce_sum3A_12 = vector.multi_reduction <add>, %mul3A_10, %reduce_sum3A_11 [1] : vector<2048x3xf32> to vector<2048xf32>
    %dot_general3A = arith.constant dense<0.000000e+00> : vector<2048x2048xf32>
    %dot_general3A_13 = tpu.matmul %get3A_3, %get3A_8, %dot_general3A {dimension_numbers = #tpu.dot_dimension_numbers<[1], [1], [0], [0], [0, 0, 1, 0], [], []>, transpose_lhs_hint = false} : vector<2048x3xf32>, vector<2048x3xf32>, vector<2048x2048xf32> -> vector<2048x2048xf32>
    %broadcast_in_dim3A_14 = vector.shape_cast %reduce_sum3A_12 : vector<2048xf32> to vector<1x2048xf32>
    %add3A = vector.broadcast %broadcast_in_dim3A : vector<2048x1xf32> to vector<2048x2048xf32>
    %add3A_15 = vector.broadcast %broadcast_in_dim3A_14 : vector<1x2048xf32> to vector<2048x2048xf32>
    %add3A_16 = arith.addf %add3A, %add3A_15 : vector<2048x2048xf32>
    %mul3A_17 = arith.constant 2.000000e+00 : f32
    %mul3A_18 = vector.broadcast %mul3A_17 : f32 to vector<2048x2048xf32>
    %mul3A_19 = arith.mulf %mul3A_18, %dot_general3A_13 : vector<2048x2048xf32>
    %sub3A = arith.subf %add3A_16, %mul3A_19 : vector<2048x2048xf32>
    %iota3A = tpu.iota {dimensions = array<i32: 1>} : vector<2048x2048xi32>
    %convert_element_type3A = arith.sitofp %iota3A : vector<2048x2048xi32> to vector<2048x2048xf32>
    %broadcast_in_dim3A_20 = arith.constant 0.000000e+00 : f32
    %broadcast_in_dim3A_21 = vector.broadcast %broadcast_in_dim3A_20 : f32 to vector<2048x1xf32>
    %reduce_min3A = arith.constant dense<0x7F800000> : vector<2048xf32>
    %reduce_min3A_22 = vector.multi_reduction <minimumf>, %sub3A, %reduce_min3A [1] : vector<2048x2048xf32> to vector<2048xf32>
    %broadcast_in_dim3A_23 = vector.shape_cast %reduce_min3A_22 : vector<2048xf32> to vector<2048x1xf32>
    %eq3A = vector.broadcast %broadcast_in_dim3A_23 : vector<2048x1xf32> to vector<2048x2048xf32>
    %eq3A_24 = arith.cmpf oeq, %sub3A, %eq3A : vector<2048x2048xf32>
    %jit3A = arith.constant 1.000000e+09 : f32
    %broadcast_in_dim3A_25 = vector.broadcast %jit3A : f32 to vector<2048x2048xf32>
    %select_n3A = arith.select %eq3A_24, %convert_element_type3A, %broadcast_in_dim3A_25 : vector<2048x2048xi1>, vector<2048x2048xf32>
    %reduce_min3A_26 = arith.constant dense<0x7F800000> : vector<2048xf32>
    %reduce_min3A_27 = vector.multi_reduction <minimumf>, %select_n3A, %reduce_min3A_26 [1] : vector<2048x2048xf32> to vector<2048xf32>
    %broadcast_in_dim3A_28 = vector.shape_cast %reduce_min3A_27 : vector<2048xf32> to vector<2048x1xf32>
    %max3A = arith.constant 9.99999996E-13 : f32
    %max3A_29 = vector.broadcast %max3A : f32 to vector<2048x1xf32>
    %max3A_30 = arith.maximumf %broadcast_in_dim3A_23, %max3A_29 : vector<2048x1xf32>
    %sqrt3A = math.sqrt %max3A_30 : vector<2048x1xf32>
    %add3A_31 = arith.constant 9.99999993E-9 : f32
    %add3A_32 = vector.broadcast %add3A_31 : f32 to vector<2048x1xf32>
    %add3A_33 = arith.addf %sqrt3A, %add3A_32 : vector<2048x1xf32>
    %div3A = arith.constant 1.000000e+00 : f32
    %div3A_34 = vector.broadcast %div3A : f32 to vector<2048x1xf32>
    %div3A_35 = arith.divf %div3A_34, %add3A_33 : vector<2048x1xf32>
    %add3A_36 = arith.addf %broadcast_in_dim3A_21, %div3A_35 : vector<2048x1xf32>
    %jit3A_37 = arith.constant 3.400000e+38 : f32
    %broadcast_in_dim3A_38 = vector.broadcast %jit3A_37 : f32 to vector<2048x2048xf32>
    %select_n3A_39 = arith.select %eq3A_24, %broadcast_in_dim3A_38, %sub3A : vector<2048x2048xi1>, vector<2048x2048xf32>
    %reduce_min3A_40 = arith.constant dense<0x7F800000> : vector<2048xf32>
    %reduce_min3A_41 = vector.multi_reduction <minimumf>, %select_n3A_39, %reduce_min3A_40 [1] : vector<2048x2048xf32> to vector<2048xf32>
    %broadcast_in_dim3A_42 = vector.shape_cast %reduce_min3A_41 : vector<2048xf32> to vector<2048x1xf32>
    %eq3A_43 = vector.broadcast %broadcast_in_dim3A_42 : vector<2048x1xf32> to vector<2048x2048xf32>
    %eq3A_44 = arith.cmpf oeq, %select_n3A_39, %eq3A_43 : vector<2048x2048xf32>
    %jit3A_45 = arith.constant 1.000000e+09 : f32
    %broadcast_in_dim3A_46 = vector.broadcast %jit3A_45 : f32 to vector<2048x2048xf32>
    %select_n3A_47 = arith.select %eq3A_44, %convert_element_type3A, %broadcast_in_dim3A_46 : vector<2048x2048xi1>, vector<2048x2048xf32>
    %reduce_min3A_48 = arith.constant dense<0x7F800000> : vector<2048xf32>
    %reduce_min3A_49 = vector.multi_reduction <minimumf>, %select_n3A_47, %reduce_min3A_48 [1] : vector<2048x2048xf32> to vector<2048xf32>
    %broadcast_in_dim3A_50 = vector.shape_cast %reduce_min3A_49 : vector<2048xf32> to vector<2048x1xf32>
    %max3A_51 = arith.constant 9.99999996E-13 : f32
    %max3A_52 = vector.broadcast %max3A_51 : f32 to vector<2048x1xf32>
    %max3A_53 = arith.maximumf %broadcast_in_dim3A_42, %max3A_52 : vector<2048x1xf32>
    %sqrt3A_54 = math.sqrt %max3A_53 : vector<2048x1xf32>
    %add3A_55 = arith.constant 9.99999993E-9 : f32
    %add3A_56 = vector.broadcast %add3A_55 : f32 to vector<2048x1xf32>
    %add3A_57 = arith.addf %sqrt3A_54, %add3A_56 : vector<2048x1xf32>
    %div3A_58 = arith.constant 1.000000e+00 : f32
    %div3A_59 = vector.broadcast %div3A_58 : f32 to vector<2048x1xf32>
    %div3A_60 = arith.divf %div3A_59, %add3A_57 : vector<2048x1xf32>
    %add3A_61 = arith.addf %add3A_36, %div3A_60 : vector<2048x1xf32>
    %jit3A_62 = arith.constant 3.400000e+38 : f32
    %broadcast_in_dim3A_63 = vector.broadcast %jit3A_62 : f32 to vector<2048x2048xf32>
    %select_n3A_64 = arith.select %eq3A_44, %broadcast_in_dim3A_63, %select_n3A_39 : vector<2048x2048xi1>, vector<2048x2048xf32>
    %reduce_min3A_65 = arith.constant dense<0x7F800000> : vector<2048xf32>
    %reduce_min3A_66 = vector.multi_reduction <minimumf>, %select_n3A_64, %reduce_min3A_65 [1] : vector<2048x2048xf32> to vector<2048xf32>
    %broadcast_in_dim3A_67 = vector.shape_cast %reduce_min3A_66 : vector<2048xf32> to vector<2048x1xf32>
    %eq3A_68 = vector.broadcast %broadcast_in_dim3A_67 : vector<2048x1xf32> to vector<2048x2048xf32>
    %eq3A_69 = arith.cmpf oeq, %select_n3A_64, %eq3A_68 : vector<2048x2048xf32>
    %jit3A_70 = arith.constant 1.000000e+09 : f32
    %broadcast_in_dim3A_71 = vector.broadcast %jit3A_70 : f32 to vector<2048x2048xf32>
    %select_n3A_72 = arith.select %eq3A_69, %convert_element_type3A, %broadcast_in_dim3A_71 : vector<2048x2048xi1>, vector<2048x2048xf32>
    %reduce_min3A_73 = arith.constant dense<0x7F800000> : vector<2048xf32>
    %reduce_min3A_74 = vector.multi_reduction <minimumf>, %select_n3A_72, %reduce_min3A_73 [1] : vector<2048x2048xf32> to vector<2048xf32>
    %broadcast_in_dim3A_75 = vector.shape_cast %reduce_min3A_74 : vector<2048xf32> to vector<2048x1xf32>
    %max3A_76 = arith.constant 9.99999996E-13 : f32
    %max3A_77 = vector.broadcast %max3A_76 : f32 to vector<2048x1xf32>
    %max3A_78 = arith.maximumf %broadcast_in_dim3A_67, %max3A_77 : vector<2048x1xf32>
    %sqrt3A_79 = math.sqrt %max3A_78 : vector<2048x1xf32>
    %add3A_80 = arith.constant 9.99999993E-9 : f32
    %add3A_81 = vector.broadcast %add3A_80 : f32 to vector<2048x1xf32>
    %add3A_82 = arith.addf %sqrt3A_79, %add3A_81 : vector<2048x1xf32>
    %div3A_83 = arith.constant 1.000000e+00 : f32
    %div3A_84 = vector.broadcast %div3A_83 : f32 to vector<2048x1xf32>
    %div3A_85 = arith.divf %div3A_84, %add3A_82 : vector<2048x1xf32>
    %add3A_86 = arith.addf %add3A_61, %div3A_85 : vector<2048x1xf32>
    %div3A_87 = arith.constant 1.000000e+00 : f32
    %div3A_88 = vector.broadcast %div3A_87 : f32 to vector<2048x1xf32>
    %div3A_89 = arith.divf %div3A_88, %add3A_86 : vector<2048x1xf32>
    %concatenate3A = tpu.concatenate %broadcast_in_dim3A_28, %broadcast_in_dim3A_50, %broadcast_in_dim3A_75 in 1 : vector<2048x1xf32>, vector<2048x1xf32>, vector<2048x1xf32> -> vector<2048x3xf32>
    %convert_element_type3A_90 = arith.fptosi %concatenate3A : vector<2048x3xf32> to vector<2048x3xi32>
    %mul3A_91 = arith.constant 2048 : i32
    %mul3A_92 = arith.muli %arg0, %mul3A_91 : i32
    %add3A_93 = vector.broadcast %mul3A_92 : i32 to vector<2048x3xi32>
    %add3A_94 = arith.addi %convert_element_type3A_90, %add3A_93 : vector<2048x3xi32>
    %mul3A_95 = arith.mulf %div3A_35, %div3A_89 : vector<2048x1xf32>
    %mul3A_96 = arith.mulf %div3A_60, %div3A_89 : vector<2048x1xf32>
    %mul3A_97 = arith.mulf %div3A_85, %div3A_89 : vector<2048x1xf32>
    %concatenate3A_98 = tpu.concatenate %mul3A_95, %mul3A_96, %mul3A_97 in 1 : vector<2048x1xf32>, vector<2048x1xf32>, vector<2048x1xf32> -> vector<2048x3xf32>
    %swap3A = arith.constant 0 : index
    %swap3A_99 = arith.constant 0 : index
    %swap3A_100 = arith.constant 0 : index
    %swap3A_101 = vector.load %arg4[%swap3A, %swap3A_99, %swap3A_100] : memref<1x2048x3xi32, #tpu.memory_space<vmem>>, vector<1x2048x3xi32>
    %swap3A_102 = vector.shape_cast %swap3A_101 : vector<1x2048x3xi32> to vector<2048x3xi32>
    %swap3A_103 = vector.shape_cast %add3A_94 : vector<2048x3xi32> to vector<1x2048x3xi32>
    tpu.vector_store %arg4[%swap3A, %swap3A_99, %swap3A_100], %swap3A_103 {strides = array<i32>} : memref<1x2048x3xi32, #tpu.memory_space<vmem>>, vector<1x2048x3xi32>,
    %broadcast_in_dim3A_104 = vector.shape_cast %concatenate3A_98 : vector<2048x3xf32> to vector<2048x3x1xf32>
    %broadcast_in_dim3A_105 = vector.shape_cast %broadcast_in_dim3A_104 : vector<2048x3x1xf32> to vector<2048x3x1xf32>
    %broadcast_in_dim3A_106 = vector.broadcast %broadcast_in_dim3A_105 : vector<2048x3x1xf32> to vector<2048x3x16xf32>
    %swap3A_107 = arith.constant 0 : index
    %swap3A_108 = arith.constant 0 : index
    %swap3A_109 = arith.constant 0 : index
    %swap3A_110 = arith.constant 0 : index
    %swap3A_111 = vector.load %arg5[%swap3A_107, %swap3A_108, %swap3A_109, %swap3A_110] : memref<1x2048x3x16xf32, #tpu.memory_space<vmem>>, vector<1x2048x3x16xf32>
    %swap3A_112 = vector.shape_cast %swap3A_111 : vector<1x2048x3x16xf32> to vector<2048x3x16xf32>
    %swap3A_113 = vector.shape_cast %broadcast_in_dim3A_106 : vector<2048x3x16xf32> to vector<1x2048x3x16xf32>
    tpu.vector_store %arg5[%swap3A_107, %swap3A_108, %swap3A_109, %swap3A_110], %swap3A_113 {strides = array<i32>} : memref<1x2048x3x16xf32, #tpu.memory_space<vmem>>, vector<1x2048x3x16xf32>,
    return
  }
  func.func @transform_0(%arg0: i32, %arg1: i32) -> (i32, i32, i32) {
    %c0_i32 = arith.constant 0 : i32
    %c0_i32_0 = arith.constant 0 : i32
    return %arg0, %arg1, %c0_i32 : i32, i32, i32
  }
  func.func @transform_1(%arg0: i32, %arg1: i32) -> (i32, i32, i32) {
    %c0_i32 = arith.constant 0 : i32
    %c0_i32_0 = arith.constant 0 : i32
    %c0_i32_1 = arith.constant 0 : i32
    return %arg0, %c0_i32, %c0_i32_0 : i32, i32, i32
  }
  func.func @transform_2(%arg0: i32, %arg1: i32) -> (i32, i32, i32) {
    %c0_i32 = arith.constant 0 : i32
    %c0_i32_0 = arith.constant 0 : i32
    return %arg0, %arg1, %c0_i32 : i32, i32, i32
  }
  func.func @transform_3(%arg0: i32, %arg1: i32) -> (i32, i32, i32, i32) {
    %c0_i32 = arith.constant 0 : i32
    %c0_i32_0 = arith.constant 0 : i32
    %c0_i32_1 = arith.constant 0 : i32
    return %arg0, %arg1, %c0_i32, %c0_i32_0 : i32, i32, i32, i32
  }
}

module attributes {stable_mosaic.version = 14 : i64} {
  func.func @_passB_body(%arg0: i32, %arg1: i32, %arg2: memref<1x2048x256xf32, #tpu.memory_space<vmem>>, %arg3: memref<1x128x2048xf32, #tpu.memory_space<vmem>>, %arg4: memref<256x256xf32, #tpu.memory_space<vmem>>, %arg5: memref<256x128xf32, #tpu.memory_space<vmem>>, %arg6: memref<1x256x2048xbf16, #tpu.memory_space<vmem>>, %arg7: memref<2x256xf32, #tpu.memory_space<vmem>>) attributes {dimension_semantics = [#tpu.dimension_semantics<arbitrary>, #tpu.dimension_semantics<arbitrary>], iteration_bounds = array<i64: 8, 4>, scalar_prefetch = 0 : i64, scratch_operands = 0 : i64, tpu.core_type = #tpu.core_type<tc>, window_params = [{transform_indices = @transform_0, window_bounds = array<i64: 1, 2048, 256>}, {transform_indices = @transform_1, window_bounds = array<i64: 1, 128, 2048>}, {pipeline_mode = #tpu.pipeline_mode<synchronous>, transform_indices = @transform_2, window_bounds = array<i64: 256, 256>}, {pipeline_mode = #tpu.pipeline_mode<synchronous>, transform_indices = @transform_3, window_bounds = array<i64: 256, 128>}, {transform_indices = @transform_4, window_bounds = array<i64: 1, 256, 2048>}, {pipeline_mode = #tpu.pipeline_mode<synchronous>, transform_indices = @transform_5, window_bounds = array<i64: 2, 256>}]} {
    %get3A = arith.constant 0 : index
    %get3A_0 = arith.constant 0 : index
    %get3A_1 = arith.constant 0 : index
    %get3A_2 = vector.load %arg2[%get3A, %get3A_0, %get3A_1] : memref<1x2048x256xf32, #tpu.memory_space<vmem>>, vector<1x2048x256xf32>
    %get3A_3 = vector.shape_cast %get3A_2 : vector<1x2048x256xf32> to vector<2048x256xf32>
    %get3A_4 = arith.constant 0 : index
    %get3A_5 = arith.constant 0 : index
    %get3A_6 = vector.load %arg4[%get3A_4, %get3A_5] : memref<256x256xf32, #tpu.memory_space<vmem>>, vector<256x256xf32>
    %dot_general3A = arith.constant dense<0.000000e+00> : vector<256x2048xf32>
    %dot_general3A_7 = tpu.matmul %get3A_6, %get3A_3, %dot_general3A {dimension_numbers = #tpu.dot_dimension_numbers<[1], [1], [0], [0], [0, 0, 1, 0], [], []>, transpose_lhs_hint = false} : vector<256x256xf32>, vector<2048x256xf32>, vector<256x2048xf32> -> vector<256x2048xf32>
    %get3A_8 = arith.constant 0 : index
    %get3A_9 = arith.constant 0 : index
    %get3A_10 = vector.load %arg5[%get3A_8, %get3A_9] : memref<256x128xf32, #tpu.memory_space<vmem>>, vector<256x128xf32>
    %get3A_11 = arith.constant 0 : index
    %get3A_12 = arith.constant 0 : index
    %get3A_13 = arith.constant 0 : index
    %get3A_14 = vector.load %arg3[%get3A_11, %get3A_12, %get3A_13] : memref<1x128x2048xf32, #tpu.memory_space<vmem>>, vector<1x128x2048xf32>
    %get3A_15 = vector.shape_cast %get3A_14 : vector<1x128x2048xf32> to vector<128x2048xf32>
    %dot_general3A_16 = arith.constant dense<0.000000e+00> : vector<256x2048xf32>
    %dot_general3A_17 = tpu.matmul %get3A_10, %get3A_15, %dot_general3A_16 {dimension_numbers = #tpu.dot_dimension_numbers<[1], [0], [0], [1], [0, 0, 1, 1], [], []>, transpose_lhs_hint = false} : vector<256x128xf32>, vector<128x2048xf32>, vector<256x2048xf32> -> vector<256x2048xf32>
    %add3A = arith.addf %dot_general3A_7, %dot_general3A_17 : vector<256x2048xf32>
    %convert_element_type3A = arith.truncf %add3A : vector<256x2048xf32> to vector<256x2048xbf16>
    %swap3A = arith.constant 0 : index
    %swap3A_18 = arith.constant 0 : index
    %swap3A_19 = arith.constant 0 : index
    %swap3A_20 = vector.load %arg6[%swap3A, %swap3A_18, %swap3A_19] : memref<1x256x2048xbf16, #tpu.memory_space<vmem>>, vector<1x256x2048xbf16>
    %swap3A_21 = vector.shape_cast %swap3A_20 : vector<1x256x2048xbf16> to vector<256x2048xbf16>
    %swap3A_22 = vector.shape_cast %convert_element_type3A : vector<256x2048xbf16> to vector<1x256x2048xbf16>
    tpu.vector_store %arg6[%swap3A, %swap3A_18, %swap3A_19], %swap3A_22 {strides = array<i32>} : memref<1x256x2048xbf16, #tpu.memory_space<vmem>>, vector<1x256x2048xbf16>,
    %reduce_sum3A = arith.constant dense<0.000000e+00> : vector<256xf32>
    %reduce_sum3A_23 = vector.multi_reduction <add>, %add3A, %reduce_sum3A [1] : vector<256x2048xf32> to vector<256xf32>
    %mul3A = arith.mulf %add3A, %add3A : vector<256x2048xf32>
    %reduce_sum3A_24 = arith.constant dense<0.000000e+00> : vector<256xf32>
    %reduce_sum3A_25 = vector.multi_reduction <add>, %mul3A, %reduce_sum3A_24 [1] : vector<256x2048xf32> to vector<256xf32>
    %stack3A = vector.shape_cast %reduce_sum3A_23 : vector<256xf32> to vector<1x256xf32>
    %stack3A_26 = vector.shape_cast %reduce_sum3A_25 : vector<256xf32> to vector<1x256xf32>
    %stack3A_27 = tpu.concatenate %stack3A, %stack3A_26 in 0 : vector<1x256xf32>, vector<1x256xf32> -> vector<2x256xf32>
    %eq3A = arith.constant 0 : i32
    %eq3A_28 = arith.cmpi eq, %arg0, %eq3A : i32
    %eq3A_29 = arith.constant 0 : i32
    %eq3A_30 = arith.cmpi eq, %arg1, %eq3A_29 : i32
    %and3A = arith.andi %eq3A_28, %eq3A_30 : i1
    %convert_element_type3A_31 = arith.extui %and3A : i1 to i32
    %cond3A = arith.constant 0 : i32
    %cond3A_32 = arith.cmpi ne, %convert_element_type3A_31, %cond3A : i32
    scf.if %cond3A_32 {
      %swap3A_39 = arith.constant 0 : index
      %swap3A_40 = arith.constant 0 : index
      %swap3A_41 = vector.load %arg7[%swap3A_39, %swap3A_40] : memref<2x256xf32, #tpu.memory_space<vmem>>, vector<2x256xf32>
      tpu.vector_store %arg7[%swap3A_39, %swap3A_40], %stack3A_27 {strides = array<i32>} : memref<2x256xf32, #tpu.memory_space<vmem>>, vector<2x256xf32>,
    } else {
    }
    %ne3A = arith.constant 0 : i32
    %ne3A_33 = arith.cmpi ne, %arg0, %ne3A : i32
    %ne3A_34 = arith.constant 0 : i32
    %ne3A_35 = arith.cmpi ne, %arg1, %ne3A_34 : i32
    %or3A = arith.ori %ne3A_33, %ne3A_35 : i1
    %convert_element_type3A_36 = arith.extui %or3A : i1 to i32
    %cond3A_37 = arith.constant 0 : i32
    %cond3A_38 = arith.cmpi ne, %convert_element_type3A_36, %cond3A_37 : i32
    scf.if %cond3A_38 {
      %get3A_39 = arith.constant 0 : index
      %get3A_40 = arith.constant 0 : index
      %get3A_41 = vector.load %arg7[%get3A_39, %get3A_40] : memref<2x256xf32, #tpu.memory_space<vmem>>, vector<2x256xf32>
      %add3A_42 = arith.addf %get3A_41, %stack3A_27 : vector<2x256xf32>
      %swap3A_43 = arith.constant 0 : index
      %swap3A_44 = arith.constant 0 : index
      %swap3A_45 = vector.load %arg7[%swap3A_43, %swap3A_44] : memref<2x256xf32, #tpu.memory_space<vmem>>, vector<2x256xf32>
      tpu.vector_store %arg7[%swap3A_43, %swap3A_44], %add3A_42 {strides = array<i32>} : memref<2x256xf32, #tpu.memory_space<vmem>>, vector<2x256xf32>,
    } else {
    }
    return
  }
  func.func @transform_0(%arg0: i32, %arg1: i32) -> (i32, i32, i32) {
    %c0_i32 = arith.constant 0 : i32
    %c0_i32_0 = arith.constant 0 : i32
    return %arg0, %arg1, %c0_i32 : i32, i32, i32
  }
  func.func @transform_1(%arg0: i32, %arg1: i32) -> (i32, i32, i32) {
    %c0_i32 = arith.constant 0 : i32
    %c0_i32_0 = arith.constant 0 : i32
    return %arg0, %c0_i32, %arg1 : i32, i32, i32
  }
  func.func @transform_2(%arg0: i32, %arg1: i32) -> (i32, i32) {
    %c0_i32 = arith.constant 0 : i32
    %c0_i32_0 = arith.constant 0 : i32
    %c0_i32_1 = arith.constant 0 : i32
    return %c0_i32, %c0_i32_0 : i32, i32
  }
  func.func @transform_3(%arg0: i32, %arg1: i32) -> (i32, i32) {
    %c0_i32 = arith.constant 0 : i32
    %c0_i32_0 = arith.constant 0 : i32
    %c0_i32_1 = arith.constant 0 : i32
    return %c0_i32, %c0_i32_0 : i32, i32
  }
  func.func @transform_4(%arg0: i32, %arg1: i32) -> (i32, i32, i32) {
    %c0_i32 = arith.constant 0 : i32
    %c0_i32_0 = arith.constant 0 : i32
    return %arg0, %c0_i32, %arg1 : i32, i32, i32
  }
  func.func @transform_5(%arg0: i32, %arg1: i32) -> (i32, i32) {
    %c0_i32 = arith.constant 0 : i32
    %c0_i32_0 = arith.constant 0 : i32
    %c0_i32_1 = arith.constant 0 : i32
    return %c0_i32, %c0_i32_0 : i32, i32
  }
}

module attributes {stable_mosaic.version = 14 : i64} {
  func.func @_pass2_body(%arg0: i32, %arg1: i32, %arg2: memref<1x256x2048xbf16, #tpu.memory_space<vmem>>, %arg3: memref<2x256xf32, #tpu.memory_space<vmem>>, %arg4: memref<1x256xf32, #tpu.memory_space<vmem>>, %arg5: memref<1x256xf32, #tpu.memory_space<vmem>>, %arg6: memref<1x256x2048xf32, #tpu.memory_space<vmem>>) attributes {dimension_semantics = [#tpu.dimension_semantics<arbitrary>, #tpu.dimension_semantics<arbitrary>], iteration_bounds = array<i64: 8, 4>, scalar_prefetch = 0 : i64, scratch_operands = 0 : i64, tpu.core_type = #tpu.core_type<tc>, window_params = [{transform_indices = @transform_0, window_bounds = array<i64: 1, 256, 2048>}, {pipeline_mode = #tpu.pipeline_mode<synchronous>, transform_indices = @transform_1, window_bounds = array<i64: 2, 256>}, {pipeline_mode = #tpu.pipeline_mode<synchronous>, transform_indices = @transform_2, window_bounds = array<i64: 1, 256>}, {pipeline_mode = #tpu.pipeline_mode<synchronous>, transform_indices = @transform_3, window_bounds = array<i64: 1, 256>}, {transform_indices = @transform_4, window_bounds = array<i64: 1, 256, 2048>}]} {
    %get3A = arith.constant 0 : index
    %get3A_0 = arith.constant 0 : index
    %get3A_1 = vector.load %arg3[%get3A, %get3A_0] : memref<2x256xf32, #tpu.memory_space<vmem>>, vector<2x256xf32>
    %slice3A = vector.extract_strided_slice %get3A_1 {offsets = [0, 0], sizes = [1, 256], strides = [1, 1]} : vector<2x256xf32> to vector<1x256xf32>
    %squeeze3A = vector.shape_cast %slice3A : vector<1x256xf32> to vector<256xf32>
    %div3A = arith.constant 6.553600e+04 : f32
    %div3A_2 = vector.broadcast %div3A : f32 to vector<256xf32>
    %div3A_3 = arith.divf %squeeze3A, %div3A_2 : vector<256xf32>
    %slice3A_4 = vector.extract_strided_slice %get3A_1 {offsets = [1, 0], sizes = [1, 256], strides = [1, 1]} : vector<2x256xf32> to vector<1x256xf32>
    %squeeze3A_5 = vector.shape_cast %slice3A_4 : vector<1x256xf32> to vector<256xf32>
    %div3A_6 = arith.constant 6.553600e+04 : f32
    %div3A_7 = vector.broadcast %div3A_6 : f32 to vector<256xf32>
    %div3A_8 = arith.divf %squeeze3A_5, %div3A_7 : vector<256xf32>
    %mul3A = arith.mulf %div3A_3, %div3A_3 : vector<256xf32>
    %sub3A = arith.subf %div3A_8, %mul3A : vector<256xf32>
    %get3A_9 = arith.constant 0 : index
    %get3A_10 = arith.constant 0 : index
    %get3A_11 = vector.load %arg4[%get3A_9, %get3A_10] : memref<1x256xf32, #tpu.memory_space<vmem>>, vector<1x256xf32>
    %squeeze3A_12 = vector.shape_cast %get3A_11 : vector<1x256xf32> to vector<256xf32>
    %add3A = arith.constant 9.99999974E-6 : f32
    %add3A_13 = vector.broadcast %add3A : f32 to vector<256xf32>
    %add3A_14 = arith.addf %sub3A, %add3A_13 : vector<256xf32>
    %sqrt3A = math.sqrt %add3A_14 : vector<256xf32>
    %div3A_15 = arith.divf %squeeze3A_12, %sqrt3A : vector<256xf32>
    %get3A_16 = arith.constant 0 : index
    %get3A_17 = arith.constant 0 : index
    %get3A_18 = vector.load %arg5[%get3A_16, %get3A_17] : memref<1x256xf32, #tpu.memory_space<vmem>>, vector<1x256xf32>
    %squeeze3A_19 = vector.shape_cast %get3A_18 : vector<1x256xf32> to vector<256xf32>
    %mul3A_20 = arith.mulf %div3A_3, %div3A_15 : vector<256xf32>
    %sub3A_21 = arith.subf %squeeze3A_19, %mul3A_20 : vector<256xf32>
    %get3A_22 = arith.constant 0 : index
    %get3A_23 = arith.constant 0 : index
    %get3A_24 = arith.constant 0 : index
    %get3A_25 = vector.load %arg2[%get3A_22, %get3A_23, %get3A_24] : memref<1x256x2048xbf16, #tpu.memory_space<vmem>>, vector<1x256x2048xbf16>
    %get3A_26 = vector.shape_cast %get3A_25 : vector<1x256x2048xbf16> to vector<256x2048xbf16>
    %convert_element_type3A = arith.extf %get3A_26 : vector<256x2048xbf16> to vector<256x2048xf32>
    %broadcast_in_dim3A = vector.shape_cast %div3A_15 : vector<256xf32> to vector<256x1xf32>
    %mul3A_27 = vector.broadcast %broadcast_in_dim3A : vector<256x1xf32> to vector<256x2048xf32>
    %mul3A_28 = arith.mulf %convert_element_type3A, %mul3A_27 : vector<256x2048xf32>
    %broadcast_in_dim3A_29 = vector.shape_cast %sub3A_21 : vector<256xf32> to vector<256x1xf32>
    %add3A_30 = vector.broadcast %broadcast_in_dim3A_29 : vector<256x1xf32> to vector<256x2048xf32>
    %add3A_31 = arith.addf %mul3A_28, %add3A_30 : vector<256x2048xf32>
    %max3A = arith.constant 0.000000e+00 : f32
    %max3A_32 = vector.broadcast %max3A : f32 to vector<256x2048xf32>
    %max3A_33 = arith.maximumf %add3A_31, %max3A_32 : vector<256x2048xf32>
    %swap3A = arith.constant 0 : index
    %swap3A_34 = arith.constant 0 : index
    %swap3A_35 = arith.constant 0 : index
    %swap3A_36 = vector.load %arg6[%swap3A, %swap3A_34, %swap3A_35] : memref<1x256x2048xf32, #tpu.memory_space<vmem>>, vector<1x256x2048xf32>
    %swap3A_37 = vector.shape_cast %swap3A_36 : vector<1x256x2048xf32> to vector<256x2048xf32>
    %swap3A_38 = vector.shape_cast %max3A_33 : vector<256x2048xf32> to vector<1x256x2048xf32>
    tpu.vector_store %arg6[%swap3A, %swap3A_34, %swap3A_35], %swap3A_38 {strides = array<i32>} : memref<1x256x2048xf32, #tpu.memory_space<vmem>>, vector<1x256x2048xf32>,
    return
  }
  func.func @transform_0(%arg0: i32, %arg1: i32) -> (i32, i32, i32) {
    %c0_i32 = arith.constant 0 : i32
    %c0_i32_0 = arith.constant 0 : i32
    return %arg0, %c0_i32, %arg1 : i32, i32, i32
  }
  func.func @transform_1(%arg0: i32, %arg1: i32) -> (i32, i32) {
    %c0_i32 = arith.constant 0 : i32
    %c0_i32_0 = arith.constant 0 : i32
    %c0_i32_1 = arith.constant 0 : i32
    return %c0_i32, %c0_i32_0 : i32, i32
  }
  func.func @transform_2(%arg0: i32, %arg1: i32) -> (i32, i32) {
    %c0_i32 = arith.constant 0 : i32
    %c0_i32_0 = arith.constant 0 : i32
    %c0_i32_1 = arith.constant 0 : i32
    return %c0_i32, %c0_i32_0 : i32, i32
  }
  func.func @transform_3(%arg0: i32, %arg1: i32) -> (i32, i32) {
    %c0_i32 = arith.constant 0 : i32
    %c0_i32_0 = arith.constant 0 : i32
    %c0_i32_1 = arith.constant 0 : i32
    return %c0_i32, %c0_i32_0 : i32, i32
  }
  func.func @transform_4(%arg0: i32, %arg1: i32) -> (i32, i32, i32) {
    %c0_i32 = arith.constant 0 : i32
    %c0_i32_0 = arith.constant 0 : i32
    return %arg0, %c0_i32, %arg1 : i32, i32, i32
  }
}

</mosaic_0001>

<sc_bundles>
// kernel: kernel.6.cloned.1.call-start
scs
__scs_entry_jumppad:
0x0: {  	(pc) =	sbr.rel $0x88, $3  }
0x1: {  	(tag) =	ssettag $0x0;
	lr =	simm.s32 $0x1  }
0x2: {  	[smem:$0x3F9A] =	sst lr;
	_ =	strace $0xD0000000  }
0x3: {  	_ = 	snop  }
0x4: {  	_ = 	snop  }
0x5: {  	_ = 	snop  }
0x6: {  	_ = 	snop  }
0x7: {  	_ = 	snop  }
__scs_overlays_trampoline_lowered:
0x8: {  	[smem:$0x3FA9] =	sst s0  }
0x9: {  	[smem:$0x3FAA] =	sst s1  }
0xa: {  	[smem:$0x3FAB] =	sst s2  }
0xb: {  	[smem:$0x3FAC] =	sst s3  }
0xc: {  	[smem:$0x3FAD] =	sst s4  }
0xd: {  	[smem:$0x3FAE] =	sst s5  }
0xe: {  	[smem:$0x3FAF] =	sst s6  }
0xf: {  	[smem:$0x3FB0] =	sst s7  }
0x10: {  	[smem:$0x3FB1] =	sst s8  }
0x11: {  	[smem:$0x3FB2] =	sst s9;
	s0 =	simm.s32 @!p0 $0x0  }
0x12: {  	s1 =	sld [smem:$0x3F98];
	s0 =	simm.s32 @p0 $0x1  }
0x13: {  	[smem:$0x3FB3] =	sst s0;
	s0 =	simm.s32 @!p1 $0x0  }
0x14: {  	s2 =	sld [smem:$0x3F97];
	s0 =	simm.s32 @p1 $0x1  }
0x15: {  	[smem:$0x3FB4] =	sst s0;
	s0 =	simm.s32 @!p2 $0x0  }
0x16: {  	s3 =	sld [smem:$0x3FDB];
	s0 =	simm.s32 @p2 $0x1  }
0x17: {  	s4 =	simm.s32 $0x1BF5;
	[smem:$0x3FB6] =	sst s0  }
0x18: {  	s0 =	sld [smem:$0x3F99];
	_ =	swait.ge [sflag:s4], $0x0  }
0x19: {  	s7 =	sld [smem:$0x3F9A]  }
0x1a: {  	s8 =	sadd.s32 $0xFFFFE003, lr  }
0x1b: {  	s9 =	sadd.s32 $0xFFFFFEF7, lr;
	s5 =	simm.s32 $0xFFFFFFFF;
	p2 =	slt.u32 s8, $0xFFFFF086  }
0x1c: {  	p1 =	slt.u32 s9, $0xF7A;
	s5 =	simm.s32 @!p2 $0x0  }
0x1d: {  	s5 =	simm.s32 @p1 $0x1;
	p0 =	seq.s32 s7, s2  }
0x1e: {  	s7 =	smul.u32 @!p0 $0xF7A, s2;
	p2 =	seq.s32 @!p0 s5, $0x0  }
0x1f: {  	s9 =	smul.u32 $0xF7A, s1;
	s8 =	simm.s32 @!p0 $0x1BF5;
	p2 =	por !p2, p0  }
0x20: {  	[sflag:s8] =	ssyncset.s32 @!p0 $0xFFFFF086;
	s6 =	sadd.s32 @!p0 s3, s7;
	s7 =	simm.s32 @!p0 $0x108  }
0x21: {  	s3 =	sadd.s32 s3, s9;
	s6 =	sadd.s32 @!p0 $0x88, s6;
	s7 =	simm.s32 @p2 $0x1082  }
0x22: {  	[simem:s7], [sflag:s8] =	dma.local @!p0 [hbm:s6], $0xF7A  }
0x23: {  	s9 =	sor.u32 $0xD0000000, s2;
	s6 =	simm.s32 $0x108;
	_ =	swait.ge @!p0 [sflag:s8], $0x0  }
0x24: {  	s3 =	sadd.s32 $0x88, s3;
	s6 =	simm.s32 @!p1 $0x1082;
	[sflag:s4] =	ssyncset.s32 $0xFFFFF086  }
0x25: {  	[simem:s6], [sflag:s4] =	dma.local [hbm:s3], $0xF7A  }
0x26: {  	[smem:$0x3F9A] =	sst s1;
	(tag) =	ssettag s2;
	_ =	strace s9  }
0x27: {  	s1 =	sld [smem:$0x3FAA]  }
0x28: {  	s2 =	sld [smem:$0x3FAB]  }
0x29: {  	s4 =	sld [smem:$0x3FAD]  }
0x2a: {  	p0 =	seq.s32 s5, $0x0;
	s5 =	sld [smem:$0x3FAE]  }
0x2b: {  	s6 =	sld [smem:$0x3FAF]  }
0x2c: {  	s7 =	sld [smem:$0x3FB0]  }
0x2d: {  	s3 =	simm.s32 $0x108;
	s8 =	sld [smem:$0x3FB1]  }
0x2e: {  	s3 =	simm.s32 @!p0 $0x1082;
	s9 =	sld [smem:$0x3FB2]  }
0x2f: {  	lr =	sadd.s32 s0, s3;
	s0 =	sld [smem:$0x3FA9]  }
0x30: {  	s3 =	sld [smem:$0x3FAC]  }
0x31: {  	[smem:$0x3FB5] =	sst s10  }
0x32: {  	s10 =	sld [smem:$0x3FB3];
	_ =	sdelay $0x3  }
0x33: {  	p0 =	seq.s32 s10, $0x1;
	s10 =	sld [smem:$0x3FB5];
	_ =	sdelay $0x3  }
0x34: {  	[smem:$0x3FB5] =	sst s10  }
0x35: {  	s10 =	sld [smem:$0x3FB4];
	_ =	sdelay $0x3  }
0x36: {  	p1 =	seq.s32 s10, $0x1;
	s10 =	sld [smem:$0x3FB5];
	_ =	sdelay $0x3  }
0x37: {  	[smem:$0x3FB5] =	sst s10  }
0x38: {  	s10 =	sld [smem:$0x3FB6]  }
0x39: {  	_ = 	snop;
	(pc) =	sbr.ind lr, $3  }
0x3a: {  	_ = 	snop  }
0x3b: {  	_ = 	snop  }
0x3c: {  	p2 =	seq.s32 s10, $0x1;
	s10 =	sld [smem:$0x3FB5]  }
0x3d: {  	_ =	shalt  }
0x3e: {  	_ =	shalt  }
0x3f: {  	_ =	shalt  }
0x40: {  	_ =	shalt  }
0x41: {  	_ =	shalt  }
0x42: {  	_ =	shalt  }
0x43: {  	_ =	shalt  }
0x44: {  	_ =	shalt  }
0x45: {  	_ =	shalt  }
0x46: {  	_ =	shalt  }
0x47: {  	_ =	shalt  }
0x48: {  	_ =	shalt  }
0x49: {  	_ =	shalt  }
0x4a: {  	_ =	shalt  }
0x4b: {  	_ =	shalt  }
0x4c: {  	_ =	shalt  }
0x4d: {  	_ =	shalt  }
0x4e: {  	_ =	shalt  }
0x4f: {  	_ =	shalt  }
0x50: {  	_ =	shalt  }
0x51: {  	_ =	shalt  }
0x52: {  	_ =	shalt  }
0x53: {  	_ =	shalt  }
0x54: {  	_ =	shalt  }
0x55: {  	_ =	shalt  }
0x56: {  	_ =	shalt  }
0x57: {  	_ =	shalt  }
0x58: {  	_ =	shalt  }
0x59: {  	_ =	shalt  }
0x5a: {  	_ =	shalt  }
0x5b: {  	_ =	shalt  }
0x5c: {  	_ =	shalt  }
0x5d: {  	_ =	shalt  }
0x5e: {  	_ =	shalt  }
0x5f: {  	_ =	shalt  }
0x60: {  	_ =	shalt  }
0x61: {  	_ =	shalt  }
0x62: {  	_ =	shalt  }
0x63: {  	_ =	shalt  }
0x64: {  	_ =	shalt  }
0x65: {  	_ =	shalt  }
0x66: {  	_ =	shalt  }
0x67: {  	_ =	shalt  }
0x68: {  	_ =	shalt  }
0x69: {  	_ =	shalt  }
0x6a: {  	_ =	shalt  }
0x6b: {  	_ =	shalt  }
0x6c: {  	_ =	shalt  }
0x6d: {  	_ =	shalt  }
0x6e: {  	_ =	shalt  }
0x6f: {  	_ =	shalt  }
0x70: {  	_ =	shalt  }
0x71: {  	_ =	shalt  }
0x72: {  	_ =	shalt  }
0x73: {  	_ =	shalt  }
0x74: {  	_ =	shalt  }
0x75: {  	_ =	shalt  }
0x76: {  	_ =	shalt  }
0x77: {  	_ =	shalt  }
0x78: {  	_ =	shalt  }
0x79: {  	_ =	shalt  }
0x7a: {  	_ =	shalt  }
0x7b: {  	_ =	shalt  }
0x7c: {  	_ =	shalt  }
0x7d: {  	_ =	shalt  }
0x7e: {  	_ =	shalt  }
0x7f: {  	_ =	shalt  }
0x80: {  	_ =	shalt  }
0x81: {  	_ =	shalt  }
0x82: {  	_ =	shalt  }
0x83: {  	_ =	shalt  }
0x84: {  	_ =	shalt  }
0x85: {  	_ =	shalt  }
0x86: {  	_ =	shalt  }
0x87: {  	_ =	shalt  }
.Lfunc_end0:
.L_simem_size_0:
called_computation_lowered:
.L_overlay_start_0:
0x88: {  	s2 =	sld [smem:$0x3FD9]  }
0x89: {  	s3 =	sld [smem:$0x3FFE];
	_ =	sdelay $0x1  }
0x8a: {  	s1 =	srdreg.scid  }
0x8b: {  	s0 =	sand.u32 $0x1, s1  }
0x8c: {  	s17 =	sshll.u32 s0, $0xA;
	s2 =	sadd.s32 s3, s2  }
0x8d: {  	s2 =	sadd.s32 s2, s17  }
0x8e: {  	[smem:$0x3FC1] =	sst s2  }
0x8f: {  	_ = 	snop  }
0x90: {  	s2 =	sld [smem:$0x3FD0];
	(tm) =	ssettm $0x1  }
0x91: {  	s18 =	sld [smem:$0x3FFB];
	_ =	sdelay $0x3  }
0x92: {  	_ =	strace s18  }
0x93: {  	s3 =	sld [smem:$0x3FFC];
	_ =	sdelay $0x3  }
0x94: {  	_ =	strace s3  }
0x95: {  	s3 =	sld [smem:$0x3FFD];
	_ =	sdelay $0x3  }
0x96: {  	_ =	strace s3  }
0x97: {  	_ =	strace $0x8FFFFFFF  }
0x98: {  	s19 =	sld [smem:$0x3FDB];
	_ =	sdelay $0x1  }
0x99: {  	s4 =	simm.s32 $_scs_section_size  }
0x9a: {  	s5 =	simm.s32 $_size__tile_overlayer_lowered;
	s6 =	simm.s32 $_tile_overlayer_lowered  }
0x9b: {  	s22 =	simm.s32 $0x1BFF;
	s21 =	sshll.u32 s6, $0x1;
	s3 =	sadd.s32 s4, s19  }
0x9c: {  	s7 =	simm.s32 $0x0;
	s20 =	sshll.u32 s5, $0x1;
	s5 =	sadd.s32 s21, s3  }
0x9d: {  	[timem:s7], [sflag:s22] =	dma.local [hbm:s5], s20  }
0x9e: {  	_ =	swait.ge [sflag:s22], s20  }
0x9f: {  	s4 =	ssub.s32 $0x0, s20;
	[sflag:s22] =	ssyncset.done $0x0  }
0xa0: {  	[sflag:s22] =	ssyncadd.s32 s4;
	_ =	sdelay $0x1  }
0xa1: {  	s23 =	simm.s32 $0x1B8B  }
0xa2: {  	_ =	swait.ge [sflag:s23], $0x1  }
0xa3: {  	[sflag:s23] =	ssyncset.done $0x0  }
0xa4: {  	s25 =	simm.s32 $0x1B8E;
	s24 =	sld [smem:$0x3FFE];
	[sflag:s23] =	ssyncadd.s32 $0xFFFFFFFF  }
0xa5: {  	s26 =	simm.s32 $execute0_lowered;
	[smem:$0x3FD2] =	sst s25  }
0xa6: {  	s5 =	sshll.u32 s26, $0x1;
	_ =	strace $0x80000046;
	[dreg:$0x1] =	wrdreg $0xFFFFFFFF  }
0xa7: {  	s28 =	simm.s32 $_size_execute0_lowered;
	s3 =	sadd.s32 s3, s5;
	[dreg:$0x0] =	wrdreg $0x0  }
0xa8: {  	s5 =	sshll.u32 s28, $0x1;
	[dreg:$0x2] =	wrdreg s3  }
0xa9: {  	[dreg:$0x3] =	wrdreg s5  }
0xaa: {  	[dreg:$0x4] =	wrdreg $0xC0  }
0xab: {  	_ =	task [dreg:s7], $0x5FFFF  }
0xac: {  	[dreg:$0x1] =	wrdreg $0xFFFFFFFF  }
0xad: {  	[dreg:$0x0] =	wrdreg $0x60  }
0xae: {  	[dreg:$0x2] =	wrdreg s24  }
0xaf: {  	[dreg:$0x3] =	wrdreg s2  }
0xb0: {  	[dreg:$0x4] =	wrdreg $0x9  }
0xb1: {  	_ =	task.clear_ibuf [dreg:s7], $0x5FFFF;
	_ =	strace $0x90000046  }
0xb2: {  	s29 =	simm.s32 $0x9;
	_ =	strace $0x80000048  }
0xb3: {  	_ =	swait.ge [sflag:s29], $0x1  }
0xb4: {  	[sflag:s29] =	ssyncadd.s32 $0xFFFFFFFF  }
0xb5: {  	_ =	strace $0x90000048  }
0xb6: {  	_ =	sfence  }
0xb7: {  	s30 =	sld [smem:$0x0];
	_ =	sdelay $0x2  }
0xb8: {  	s31 =	sshll.u32 s1, $0xD;
	s1 =	sshrl.u32 s1, $0x2  }
0xb9: {  	s3 =	sand.u32 $0x4000, s31;
	s1 =	sadd.s32 s1, s30  }
0xba: {  	s0 =	sor.u32 s3, s0;
	s1 =	sshll.u32 s1, $0x11  }
0xbb: {  	s0 =	sor.u32 s1, s0  }
0xbc: {  	s0 =	sadd.s32 $0x8F2B, s0  }
0xbd: {  	[sflag:s0] =	ssyncadd.remote.s32 $0x1  }
0xbe: {  	_ =	sfence.sel $0xFFFF  }
0xbf: {  	[dreg:$0x0] =	wrdreg $0xFFFFFFFF;
	(pc) =	sbr.abs _section_cstart, $3  }
0xc0: {  	[dreg:$0x1] =	wrdreg $0xFFFFFFFF  }
0xc1: {  	_ =	task.clear_ibuf [dreg:s7], $0x2FFFF;
	_ =	strace $0x9FFFFFFF  }
0xc2: {  	(tm) =	ssettm $0x7FFFFFFF  }
0xc3: {  	_ =	shalt  }
tec
execute0_lowered:
.L_overlay_start_1:
0x0: {  	(tag) =	ssettag $0x1  }
0x1: {  	s0 =	rddreg [dreg:$0x0];
	s1 =	simm.s32 $0x0;
	s30 =	srdreg.scid  }
0x2: {  	s6 =	stileid.u32;
	s9 =	simm.s32 $0x2;
	s15 =	simm.s32 $0x5080  }
0x3: {  	s16 =	simm.s32 $0x5880;
	s17 =	simm.s32 $0x6080;
	s18 =	simm.s32 $0x6880  }
0x4: {  	s19 =	simm.s32 $0x7080;
	s20 =	simm.s32 $0x7880;
	s21 =	simm.s32 $0x8080  }
0x5: {  	s22 =	simm.s32 $0x8880;
	[smem:$0x7FF] =	sst s1;
	s1 =	sand.u32 $0x1, s30  }
0x6: {  	s23 =	simm.s32 $0x1;
	s24 =	simm.s32 $0x9080;
	s2 =	ssub.s32 $0x2, s1  }
0x7: {  	s4 =	sadd.s32 $0x1200, s0;
	s5 =	sadd.s32 $0x581200, s0;
	s3 =	sshrl.u32 s2, $0x1  }
0x8: {  	v2 =	vlaneseq.u32;
	s7 =	sshll.u32 s6, $0xC;
	s6 =	sadd.s32 $0x587200, s0;
	s31 =	ssub.s32 s2, s3  }
0x9: {  	vm0 =	vmmov $0xffff;
	v1 =	vshrl.u32 v2, $0x3;
	_ =	strace $0x80000047;
	s1 =	sshll.u32 s1, $0xB;
	s0 =	smax.u32 s31, $0x1  }
0xa: {  	v0 =	vand.u32 $0x7, v2;
	v2 =	vor.u32 $0x8, v2;
	v1 =	vmul.u32 $0x8, v1;
	s7 =	sor.u32 s1, s7;
	s1 =	simm.s32 $0x0;
	[dreg:$0x3] =	wrdreg s0  }
.LBB2_1:
0xb: {  	[dreg:$0x4] =	wrdreg s1;
	s26 =	simm.s32 $0x0  }
.LBB2_2:
0xc: {  	s0 =	sshll.u32 s26, $0x5  }
0xd: {  	s28 =	sadd.s32 s7, s0  }
0xe: {  	s0 =	smul.u32 $0x3, s28;
	_ =	sdelay $0x1  }
0xf: {  	s0 =	sshrl.u32 s0, $0x3  }
0x10: {  	s29 =	simm.s32 $0x0;
	s0 =	sadd.s32 s5, s0  }
0x11: {  	[tilespmem:s29], [sflag:$0x2] =	stream.linear.gather [hbm4b:s0+s29], $0x60, $0x38;
	[tilespmem:$0xB080] =	vst v63  }
0x12: {  	s13 =	smul.u32 $0x30, s28;
	_ =	swait.ge [sflag:s9], $0x60  }
0x13: {  	[sflag:s9] =	ssyncset.done $0x0  }
0x14: {  	s1 =	simm.s32 $0x80;
	s0 =	sadd.s32 s6, s13;
	[sflag:s9] =	ssyncadd.s32 $0xFFFFFFA0  }
0x15: {  	[tilespmem:s1], [sflag:$0x2] =	stream.linear.gather [hbm4b:s0+s29], $0x3000, $0x38;
	[tilespmem:$0xB080] =	vst v63  }
0x16: {  	_ =	swait.ge [sflag:s9], $0x3000  }
0x17: {  	[sflag:s9] =	ssyncset.done $0x0  }
0x18: {  	[sflag:s9] =	ssyncadd.s32 $0xFFFFD000  }
0x19: {  	v3 =	vld [tilespmem:$0x0];
	_ =	sdelay $0x4  }
0x1a: {  	v4 =	vshll.u32 v3, $0x1  }
0x1b: {  	v3 =	vand.u32 $0x7, v3;
	v4 =	vand.u32 $0xFFFFFFF0, v4  }
0x1c: {  	v3 =	vor.u32 v3, v4  }
0x1d: {  	v4 =	vperm.xlane v3, v0;
	_ =	sdelay $0x1  }
0x1e: {  	v3 =	vperm.xlane v3, v2;
	v4 =	vadd.s32 v1, v4;
	_ =	sdelay $0x1  }
0x1f: {  	v3 =	vadd.s32 v1, v3;
	_ =	sdelay $0x1  }
0x20: {  	s14 =	simm.s32 $0x3080  }
0x21: {  	[tilespmem:s14], [sflag:$0x1] =	stream.indirect_vreg.gather [hbm4b:s4+s29], $0x80, v4, vm0, $0xb8;
	[tilespmem:$0xB080] =	vst v63  }
0x22: {  	s25 =	simm.s32 $0x3880  }
0x23: {  	[tilespmem:s25], [sflag:$0x1] =	stream.indirect_vreg.gather [hbm4b:s4+s29], $0x80, v3, vm0, $0xb8;
	[tilespmem:$0xB080] =	vst v63  }
0x24: {  	v3 =	vld [tilespmem:$0x10];
	_ =	sdelay $0x4  }
0x25: {  	v4 =	vshll.u32 v3, $0x1  }
0x26: {  	v3 =	vand.u32 $0x7, v3;
	v4 =	vand.u32 $0xFFFFFFF0, v4  }
0x27: {  	v3 =	vor.u32 v3, v4  }
0x28: {  	v4 =	vperm.xlane v3, v0;
	_ =	sdelay $0x1  }
0x29: {  	v3 =	vperm.xlane v3, v2;
	v4 =	vadd.s32 v1, v4;
	_ =	sdelay $0x1  }
0x2a: {  	v3 =	vadd.s32 v1, v3;
	_ =	sdelay $0x1  }
0x2b: {  	s1 =	simm.s32 $0x4080  }
0x2c: {  	[tilespmem:s1], [sflag:$0x1] =	stream.indirect_vreg.gather [hbm4b:s4+s29], $0x80, v4, vm0, $0xb8;
	[tilespmem:$0xB080] =	vst v63  }
0x2d: {  	s2 =	simm.s32 $0x4880  }
0x2e: {  	[tilespmem:s2], [sflag:$0x1] =	stream.indirect_vreg.gather [hbm4b:s4+s29], $0x80, v3, vm0, $0xb8;
	[tilespmem:$0xB080] =	vst v63  }
0x2f: {  	v3 =	vld [tilespmem:$0x20];
	_ =	sdelay $0x4  }
0x30: {  	v4 =	vshll.u32 v3, $0x1  }
0x31: {  	v3 =	vand.u32 $0x7, v3;
	v4 =	vand.u32 $0xFFFFFFF0, v4  }
0x32: {  	v3 =	vor.u32 v3, v4  }
0x33: {  	v4 =	vperm.xlane v3, v0;
	_ =	sdelay $0x1  }
0x34: {  	v3 =	vperm.xlane v3, v2;
	v4 =	vadd.s32 v1, v4;
	_ =	sdelay $0x1  }
0x35: {  	v3 =	vadd.s32 v1, v3;
	_ =	sdelay $0x2  }
0x36: {  	[tilespmem:s15], [sflag:$0x1] =	stream.indirect_vreg.gather [hbm4b:s4+s29], $0x80, v4, vm0, $0xb8;
	[tilespmem:$0xB080] =	vst v63  }
0x37: {  	_ = 	snop  }
0x38: {  	[tilespmem:s16], [sflag:$0x1] =	stream.indirect_vreg.gather [hbm4b:s4+s29], $0x80, v3, vm0, $0xb8;
	[tilespmem:$0xB080] =	vst v63  }
0x39: {  	v3 =	vld [tilespmem:$0x30];
	_ =	sdelay $0x4  }
0x3a: {  	v4 =	vshll.u32 v3, $0x1  }
0x3b: {  	v3 =	vand.u32 $0x7, v3;
	v4 =	vand.u32 $0xFFFFFFF0, v4  }
0x3c: {  	v3 =	vor.u32 v3, v4  }
0x3d: {  	v4 =	vperm.xlane v3, v0;
	_ =	sdelay $0x1  }
0x3e: {  	v3 =	vperm.xlane v3, v2;
	v4 =	vadd.s32 v1, v4;
	_ =	sdelay $0x1  }
0x3f: {  	v3 =	vadd.s32 v1, v3;
	_ =	sdelay $0x2  }
0x40: {  	[tilespmem:s17], [sflag:$0x1] =	stream.indirect_vreg.gather [hbm4b:s4+s29], $0x80, v4, vm0, $0xb8;
	[tilespmem:$0xB080] =	vst v63  }
0x41: {  	_ = 	snop  }
0x42: {  	[tilespmem:s18], [sflag:$0x1] =	stream.indirect_vreg.gather [hbm4b:s4+s29], $0x80, v3, vm0, $0xb8;
	[tilespmem:$0xB080] =	vst v63  }
0x43: {  	v3 =	vld [tilespmem:$0x40];
	_ =	sdelay $0x4  }
0x44: {  	v4 =	vshll.u32 v3, $0x1  }
0x45: {  	v3 =	vand.u32 $0x7, v3;
	v4 =	vand.u32 $0xFFFFFFF0, v4  }
0x46: {  	v3 =	vor.u32 v3, v4  }
0x47: {  	v4 =	vperm.xlane v3, v0;
	_ =	sdelay $0x1  }
0x48: {  	v3 =	vperm.xlane v3, v2;
	v4 =	vadd.s32 v1, v4;
	_ =	sdelay $0x1  }
0x49: {  	v3 =	vadd.s32 v1, v3;
	_ =	sdelay $0x2  }
0x4a: {  	[tilespmem:s19], [sflag:$0x1] =	stream.indirect_vreg.gather [hbm4b:s4+s29], $0x80, v4, vm0, $0xb8;
	[tilespmem:$0xB080] =	vst v63  }
0x4b: {  	_ = 	snop  }
0x4c: {  	[tilespmem:s20], [sflag:$0x1] =	stream.indirect_vreg.gather [hbm4b:s4+s29], $0x80, v3, vm0, $0xb8;
	[tilespmem:$0xB080] =	vst v63  }
0x4d: {  	v3 =	vld [tilespmem:$0x50];
	_ =	sdelay $0x4  }
0x4e: {  	v4 =	vshll.u32 v3, $0x1  }
0x4f: {  	v3 =	vand.u32 $0x7, v3;
	v4 =	vand.u32 $0xFFFFFFF0, v4  }
0x50: {  	v3 =	vor.u32 v3, v4  }
0x51: {  	v4 =	vperm.xlane v3, v0;
	_ =	sdelay $0x1  }
0x52: {  	v3 =	vperm.xlane v3, v2;
	v4 =	vadd.s32 v1, v4;
	_ =	sdelay $0x1  }
0x53: {  	v3 =	vadd.s32 v1, v3;
	_ =	sdelay $0x2  }
0x54: {  	[tilespmem:s21], [sflag:$0x1] =	stream.indirect_vreg.gather [hbm4b:s4+s29], $0x80, v4, vm0, $0xb8;
	[tilespmem:$0xB080] =	vst v63  }
0x55: {  	_ = 	snop  }
0x56: {  	[tilespmem:s22], [sflag:$0x1] =	stream.indirect_vreg.gather [hbm4b:s4+s29], $0x80, v3, vm0, $0xb8;
	[tilespmem:$0xB080] =	vst v63  }
0x57: {  	s10 =	simm.s32 $0x100;
	_ =	swait.ge [sflag:s23], $0x6000  }
0x58: {  	s3 =	sand.u32 $0x7800, s29;
	s8 =	sand.u32 $0x380, s29;
	[sflag:s23] =	ssyncset.done $0x0  }
0x59: {  	s11 =	simm.s32 $0x80;
	s30 =	sor.u32 s8, s3;
	[sflag:s23] =	ssyncadd.s32 $0xFFFFA000  }
0x5a: {  	s0 =	sand.u32 $0xF800, s10;
	s1 =	sand.u32 $0x380, s11;
	s2 =	simm.s32 $0x180;
	v6 =	vld [tilespmem:s30+$0x3080]  }
0x5b: {  	s31 =	sor.u32 s1, s0;
	v3 =	vld [tilespmem:s2+$0xFFFFFF00]  }
0x5c: {  	s12 =	simm.s32 $0x100;
	s13 =	simm.s32 $0x200;
	v7 =	vld [tilespmem:s31+$0x3080]  }
0x5d: {  	s1 =	sand.u32 $0xF800, s13;
	s0 =	sand.u32 $0x380, s12;
	v5 =	vld [tilespmem:s2+$0xFFFFFF80]  }
0x5e: {  	s0 =	sor.u32 s0, s1;
	v4 =	vld [tilespmem:s2+$0x0]  }
0x5f: {  	v8 =	vld [tilespmem:s0+$0x3080];
	_ =	sdelay $0x2  }
0x60: {  	v6 =	vmul.f32 v6, v3;
	v7 =	vmul.f32 v7, v5;
	_ =	sdelay $0x1  }
0x61: {  	v6 =	vadd.f32 v7, v6;
	v7 =	vmul.f32 v8, v4;
	_ =	sdelay $0x1  }
0x62: {  	s14 =	sand.u32 $0x1800, s29;
	s25 =	sand.u32 $0x380, s29;
	v6 =	vadd.f32 v7, v6  }
0x63: {  	s3 =	sor.u32 s25, s14  }
0x64: {  	[tilespmem:s3+$0x9080] =	vst v6  }
0x65: {  	v6 =	vld [tilespmem:s30+$0x3090]  }
0x66: {  	v7 =	vld [tilespmem:s31+$0x3090];
	_ =	sdelay $0x1  }
0x67: {  	v8 =	vld [tilespmem:s0+$0x3090];
	_ =	sdelay $0x2  }
0x68: {  	v6 =	vmul.f32 v6, v3;
	v7 =	vmul.f32 v7, v5;
	_ =	sdelay $0x1  }
0x69: {  	v6 =	vadd.f32 v7, v6;
	v7 =	vmul.f32 v8, v4;
	_ =	sdelay $0x1  }
0x6a: {  	v6 =	vadd.f32 v7, v6;
	_ =	sdelay $0x1  }
0x6b: {  	[tilespmem:s3+$0x9090] =	vst v6  }
0x6c: {  	v6 =	vld [tilespmem:s30+$0x30A0]  }
0x6d: {  	v7 =	vld [tilespmem:s31+$0x30A0];
	_ =	sdelay $0x1  }
0x6e: {  	v8 =	vld [tilespmem:s0+$0x30A0];
	_ =	sdelay $0x2  }
0x6f: {  	v6 =	vmul.f32 v6, v3;
	v7 =	vmul.f32 v7, v5;
	_ =	sdelay $0x1  }
0x70: {  	v6 =	vadd.f32 v7, v6;
	v7 =	vmul.f32 v8, v4;
	_ =	sdelay $0x1  }
0x71: {  	v6 =	vadd.f32 v7, v6;
	_ =	sdelay $0x1  }
0x72: {  	[tilespmem:s3+$0x90A0] =	vst v6  }
0x73: {  	v6 =	vld [tilespmem:s30+$0x30B0]  }
0x74: {  	v7 =	vld [tilespmem:s31+$0x30B0];
	_ =	sdelay $0x1  }
0x75: {  	v8 =	vld [tilespmem:s0+$0x30B0];
	_ =	sdelay $0x2  }
0x76: {  	v6 =	vmul.f32 v6, v3;
	v7 =	vmul.f32 v7, v5;
	_ =	sdelay $0x1  }
0x77: {  	v6 =	vadd.f32 v7, v6;
	v7 =	vmul.f32 v8, v4;
	_ =	sdelay $0x1  }
0x78: {  	v6 =	vadd.f32 v7, v6;
	_ =	sdelay $0x1  }
0x79: {  	[tilespmem:s3+$0x90B0] =	vst v6  }
0x7a: {  	v6 =	vld [tilespmem:s30+$0x30C0]  }
0x7b: {  	v7 =	vld [tilespmem:s31+$0x30C0];
	_ =	sdelay $0x1  }
0x7c: {  	v8 =	vld [tilespmem:s0+$0x30C0];
	_ =	sdelay $0x2  }
0x7d: {  	v6 =	vmul.f32 v6, v3;
	v7 =	vmul.f32 v7, v5;
	_ =	sdelay $0x1  }
0x7e: {  	v6 =	vadd.f32 v7, v6;
	v7 =	vmul.f32 v8, v4;
	_ =	sdelay $0x1  }
0x7f: {  	v6 =	vadd.f32 v7, v6;
	_ =	sdelay $0x1  }
0x80: {  	[tilespmem:s3+$0x90C0] =	vst v6  }
0x81: {  	v6 =	vld [tilespmem:s30+$0x30D0]  }
0x82: {  	v7 =	vld [tilespmem:s31+$0x30D0];
	_ =	sdelay $0x1  }
0x83: {  	v8 =	vld [tilespmem:s0+$0x30D0];
	_ =	sdelay $0x2  }
0x84: {  	v6 =	vmul.f32 v6, v3;
	v7 =	vmul.f32 v7, v5;
	_ =	sdelay $0x1  }
0x85: {  	v6 =	vadd.f32 v7, v6;
	v7 =	vmul.f32 v8, v4;
	_ =	sdelay $0x1  }
0x86: {  	v6 =	vadd.f32 v7, v6;
	_ =	sdelay $0x1  }
0x87: {  	[tilespmem:s3+$0x90D0] =	vst v6  }
0x88: {  	v6 =	vld [tilespmem:s30+$0x30E0]  }
0x89: {  	v7 =	vld [tilespmem:s31+$0x30E0];
	_ =	sdelay $0x1  }
0x8a: {  	v8 =	vld [tilespmem:s0+$0x30E0];
	_ =	sdelay $0x2  }
0x8b: {  	v6 =	vmul.f32 v6, v3;
	v7 =	vmul.f32 v7, v5;
	_ =	sdelay $0x1  }
0x8c: {  	v6 =	vadd.f32 v7, v6;
	v7 =	vmul.f32 v8, v4;
	_ =	sdelay $0x1  }
0x8d: {  	v6 =	vadd.f32 v7, v6;
	_ =	sdelay $0x1  }
0x8e: {  	[tilespmem:s3+$0x90E0] =	vst v6  }
0x8f: {  	v6 =	vld [tilespmem:s30+$0x30F0]  }
0x90: {  	v7 =	vld [tilespmem:s31+$0x30F0];
	_ =	sdelay $0x1  }
0x91: {  	v8 =	vld [tilespmem:s0+$0x30F0];
	_ =	sdelay $0x2  }
0x92: {  	v6 =	vmul.f32 v6, v3;
	v7 =	vmul.f32 v7, v5;
	_ =	sdelay $0x1  }
0x93: {  	v6 =	vadd.f32 v7, v6;
	v7 =	vmul.f32 v8, v4;
	_ =	sdelay $0x1  }
0x94: {  	v6 =	vadd.f32 v7, v6;
	_ =	sdelay $0x1  }
0x95: {  	[tilespmem:s3+$0x90F0] =	vst v6  }
0x96: {  	v6 =	vld [tilespmem:s30+$0x3480]  }
0x97: {  	v7 =	vld [tilespmem:s31+$0x3480];
	_ =	sdelay $0x1  }
0x98: {  	v8 =	vld [tilespmem:s0+$0x3480];
	_ =	sdelay $0x2  }
0x99: {  	v6 =	vmul.f32 v6, v3;
	v7 =	vmul.f32 v7, v5;
	_ =	sdelay $0x1  }
0x9a: {  	v6 =	vadd.f32 v7, v6;
	v7 =	vmul.f32 v8, v4;
	_ =	sdelay $0x1  }
0x9b: {  	v6 =	vadd.f32 v7, v6;
	_ =	sdelay $0x1  }
0x9c: {  	[tilespmem:s3+$0x9480] =	vst v6  }
0x9d: {  	v6 =	vld [tilespmem:s30+$0x3490]  }
0x9e: {  	v7 =	vld [tilespmem:s31+$0x3490];
	_ =	sdelay $0x1  }
0x9f: {  	v8 =	vld [tilespmem:s0+$0x3490];
	_ =	sdelay $0x2  }
0xa0: {  	v6 =	vmul.f32 v6, v3;
	v7 =	vmul.f32 v7, v5;
	_ =	sdelay $0x1  }
0xa1: {  	v6 =	vadd.f32 v7, v6;
	v7 =	vmul.f32 v8, v4;
	_ =	sdelay $0x1  }
0xa2: {  	v6 =	vadd.f32 v7, v6;
	_ =	sdelay $0x1  }
0xa3: {  	[tilespmem:s3+$0x9490] =	vst v6  }
0xa4: {  	v6 =	vld [tilespmem:s30+$0x34A0]  }
0xa5: {  	v7 =	vld [tilespmem:s31+$0x34A0];
	_ =	sdelay $0x1  }
0xa6: {  	v8 =	vld [tilespmem:s0+$0x34A0];
	_ =	sdelay $0x2  }
0xa7: {  	v6 =	vmul.f32 v6, v3;
	v7 =	vmul.f32 v7, v5;
	_ =	sdelay $0x1  }
0xa8: {  	v6 =	vadd.f32 v7, v6;
	v7 =	vmul.f32 v8, v4;
	_ =	sdelay $0x1  }
0xa9: {  	v6 =	vadd.f32 v7, v6;
	_ =	sdelay $0x1  }
0xaa: {  	[tilespmem:s3+$0x94A0] =	vst v6  }
0xab: {  	v6 =	vld [tilespmem:s30+$0x34B0]  }
0xac: {  	v7 =	vld [tilespmem:s31+$0x34B0];
	_ =	sdelay $0x1  }
0xad: {  	v8 =	vld [tilespmem:s0+$0x34B0];
	_ =	sdelay $0x2  }
0xae: {  	v6 =	vmul.f32 v6, v3;
	v7 =	vmul.f32 v7, v5;
	_ =	sdelay $0x1  }
0xaf: {  	v6 =	vadd.f32 v7, v6;
	v7 =	vmul.f32 v8, v4;
	_ =	sdelay $0x1  }
0xb0: {  	v6 =	vadd.f32 v7, v6;
	_ =	sdelay $0x1  }
0xb1: {  	[tilespmem:s3+$0x94B0] =	vst v6  }
0xb2: {  	v7 =	vld [tilespmem:s30+$0x34C0]  }
0xb3: {  	v8 =	vld [tilespmem:s31+$0x34C0];
	_ =	sdelay $0x1  }
0xb4: {  	s8 =	simm.s32 $0x180;
	v6 =	vld [tilespmem:s0+$0x34C0]  }
0xb5: {  	s25 =	simm.s32 $0x300;
	s1 =	simm.s32 $0x0;
	s2 =	simm.s32 $0x0  }
.LBB2_3:
0xb6: {  	s29 =	sadd.s32 $0x80, s29;
	s1 =	sadd.s32 $0x100, s1;
	s2 =	sadd.s32 $0x300, s2  }
0xb7: {  	p0 =	sne.s32 s8, $0x2E80;
	v7 =	vmul.f32 v7, v3;
	s10 =	smov.u32 s8;
	s8 =	sadd.s32 $0x180, s8;
	v8 =	vmul.f32 v8, v5  }
0xb8: {  	_ = 	snop  }
0xb9: {  	v6 =	vmul.f32 v6, v4;
	v7 =	vadd.f32 v8, v7;
	_ =	sdelay $0x1  }
0xba: {  	v6 =	vadd.f32 v6, v7;
	_ =	sdelay $0x1  }
0xbb: {  	[tilespmem:s3+$0x94C0] =	vst v6  }
0xbc: {  	v6 =	vld [tilespmem:s30+$0x34D0]  }
0xbd: {  	v7 =	vld [tilespmem:s31+$0x34D0]  }
0xbe: {  	v8 =	vld [tilespmem:s0+$0x34D0];
	_ =	sdelay $0x2  }
0xbf: {  	v6 =	vmul.f32 v6, v3  }
0xc0: {  	v7 =	vmul.f32 v7, v5  }
0xc1: {  	s11 =	sand.u32 $0x7800, s2;
	s12 =	sand.u32 $0x380, s10;
	s13 =	sadd.s32 $0x100, s10  }
0xc2: {  	s10 =	sadd.s32 $0x80, s10;
	s11 =	sor.u32 s12, s11;
	s12 =	sadd.s32 $0x100, s2;
	v6 =	vadd.f32 v7, v6;
	v7 =	vmul.f32 v8, v4  }
0xc3: {  	s14 =	sadd.s32 $0x200, s2;
	s10 =	sand.u32 $0x380, s10;
	s12 =	sand.u32 $0xF800, s12  }
0xc4: {  	s13 =	sand.u32 $0x380, s13;
	s10 =	sor.u32 s10, s12;
	s12 =	sand.u32 $0xF800, s14;
	v6 =	vadd.f32 v7, v6  }
0xc5: {  	s12 =	sor.u32 s13, s12  }
0xc6: {  	[tilespmem:s3+$0x94D0] =	vst v6  }
0xc7: {  	v6 =	vld [tilespmem:s30+$0x34E0]  }
0xc8: {  	v7 =	vld [tilespmem:s31+$0x34E0]  }
0xc9: {  	v8 =	vld [tilespmem:s0+$0x34E0];
	_ =	sdelay $0x2  }
0xca: {  	v6 =	vmul.f32 v6, v3  }
0xcb: {  	v7 =	vmul.f32 v7, v5;
	_ =	sdelay $0x1  }
0xcc: {  	v6 =	vadd.f32 v7, v6;
	v7 =	vmul.f32 v8, v4;
	_ =	sdelay $0x1  }
0xcd: {  	v6 =	vadd.f32 v7, v6;
	_ =	sdelay $0x1  }
0xce: {  	[tilespmem:s3+$0x94E0] =	vst v6  }
0xcf: {  	v6 =	vld [tilespmem:s30+$0x34F0];
	s30 =	smov.u32 s11  }
0xd0: {  	v7 =	vld [tilespmem:s31+$0x34F0];
	s31 =	smov.u32 s10  }
0xd1: {  	v8 =	vld [tilespmem:s0+$0x34F0];
	s0 =	smov.u32 s12;
	_ =	sdelay $0x2  }
0xd2: {  	v3 =	vmul.f32 v6, v3  }
0xd3: {  	v5 =	vmul.f32 v7, v5;
	_ =	sdelay $0x1  }
0xd4: {  	v4 =	vmul.f32 v8, v4;
	v3 =	vadd.f32 v5, v3;
	_ =	sdelay $0x1  }
0xd5: {  	v3 =	vadd.f32 v4, v3;
	_ =	sdelay $0x1  }
0xd6: {  	[tilespmem:s3+$0x94F0] =	vst v3  }
0xd7: {  	v6 =	vld [tilespmem:s30+$0x3080]  }
0xd8: {  	v3 =	vld [tilespmem:s25+$0xFFFFFF00]  }
0xd9: {  	v7 =	vld [tilespmem:s31+$0x3080]  }
0xda: {  	v5 =	vld [tilespmem:s25+$0xFFFFFF80]  }
0xdb: {  	v4 =	vld [tilespmem:s25+$0x0]  }
0xdc: {  	v8 =	vld [tilespmem:s0+$0x3080];
	_ =	sdelay $0x1  }
0xdd: {  	v6 =	vmul.f32 v6, v3  }
0xde: {  	v7 =	vmul.f32 v7, v5;
	_ =	sdelay $0x1  }
0xdf: {  	v6 =	vadd.f32 v7, v6;
	v7 =	vmul.f32 v8, v4;
	_ =	sdelay $0x1  }
0xe0: {  	s10 =	sand.u32 $0x380, s29;
	s3 =	sand.u32 $0x1800, s1;
	v6 =	vadd.f32 v7, v6  }
0xe1: {  	s3 =	sor.u32 s10, s3  }
0xe2: {  	[tilespmem:s3+$0x9080] =	vst v6  }
0xe3: {  	v6 =	vld [tilespmem:s30+$0x3090]  }
0xe4: {  	v7 =	vld [tilespmem:s31+$0x3090];
	_ =	sdelay $0x1  }
0xe5: {  	v8 =	vld [tilespmem:s0+$0x3090];
	_ =	sdelay $0x1  }
0xe6: {  	v6 =	vmul.f32 v6, v3  }
0xe7: {  	v7 =	vmul.f32 v7, v5;
	_ =	sdelay $0x1  }
0xe8: {  	v6 =	vadd.f32 v7, v6;
	v7 =	vmul.f32 v8, v4;
	_ =	sdelay $0x1  }
0xe9: {  	v6 =	vadd.f32 v7, v6;
	_ =	sdelay $0x1  }
0xea: {  	[tilespmem:s3+$0x9090] =	vst v6  }
0xeb: {  	v6 =	vld [tilespmem:s30+$0x30A0]  }
0xec: {  	v7 =	vld [tilespmem:s31+$0x30A0];
	_ =	sdelay $0x1  }
0xed: {  	v8 =	vld [tilespmem:s0+$0x30A0];
	_ =	sdelay $0x1  }
0xee: {  	v6 =	vmul.f32 v6, v3  }
0xef: {  	v7 =	vmul.f32 v7, v5;
	_ =	sdelay $0x1  }
0xf0: {  	v6 =	vadd.f32 v7, v6;
	v7 =	vmul.f32 v8, v4;
	_ =	sdelay $0x1  }
0xf1: {  	v6 =	vadd.f32 v7, v6;
	_ =	sdelay $0x1  }
0xf2: {  	[tilespmem:s3+$0x90A0] =	vst v6  }
0xf3: {  	v6 =	vld [tilespmem:s30+$0x30B0]  }
0xf4: {  	v7 =	vld [tilespmem:s31+$0x30B0]  }
0xf5: {  	v8 =	vld [tilespmem:s0+$0x30B0];
	_ =	sdelay $0x2  }
0xf6: {  	v6 =	vmul.f32 v6, v3  }
0xf7: {  	v7 =	vmul.f32 v7, v5;
	_ =	sdelay $0x1  }
0xf8: {  	v6 =	vadd.f32 v7, v6;
	v7 =	vmul.f32 v8, v4;
	_ =	sdelay $0x1  }
0xf9: {  	v6 =	vadd.f32 v7, v6;
	_ =	sdelay $0x1  }
0xfa: {  	[tilespmem:s3+$0x90B0] =	vst v6  }
0xfb: {  	v6 =	vld [tilespmem:s30+$0x30C0]  }
0xfc: {  	v7 =	vld [tilespmem:s31+$0x30C0]  }
0xfd: {  	v8 =	vld [tilespmem:s0+$0x30C0];
	_ =	sdelay $0x2  }
0xfe: {  	v6 =	vmul.f32 v6, v3  }
0xff: {  	v7 =	vmul.f32 v7, v5;
	_ =	sdelay $0x1  }
0x100: {  	v6 =	vadd.f32 v7, v6;
	v7 =	vmul.f32 v8, v4;
	_ =	sdelay $0x1  }
0x101: {  	v6 =	vadd.f32 v7, v6;
	_ =	sdelay $0x1  }
0x102: {  	[tilespmem:s3+$0x90C0] =	vst v6  }
0x103: {  	v6 =	vld [tilespmem:s30+$0x30D0]  }
0x104: {  	v7 =	vld [tilespmem:s31+$0x30D0]  }
0x105: {  	v8 =	vld [tilespmem:s0+$0x30D0];
	_ =	sdelay $0x2  }
0x106: {  	v6 =	vmul.f32 v6, v3  }
0x107: {  	v7 =	vmul.f32 v7, v5;
	_ =	sdelay $0x1  }
0x108: {  	v6 =	vadd.f32 v7, v6;
	v7 =	vmul.f32 v8, v4;
	_ =	sdelay $0x1  }
0x109: {  	v6 =	vadd.f32 v7, v6;
	_ =	sdelay $0x1  }
0x10a: {  	[tilespmem:s3+$0x90D0] =	vst v6  }
0x10b: {  	v6 =	vld [tilespmem:s30+$0x30E0]  }
0x10c: {  	v7 =	vld [tilespmem:s31+$0x30E0]  }
0x10d: {  	v8 =	vld [tilespmem:s0+$0x30E0];
	_ =	sdelay $0x2  }
0x10e: {  	v6 =	vmul.f32 v6, v3  }
0x10f: {  	v7 =	vmul.f32 v7, v5;
	_ =	sdelay $0x1  }
0x110: {  	v6 =	vadd.f32 v7, v6;
	v7 =	vmul.f32 v8, v4;
	_ =	sdelay $0x1  }
0x111: {  	v6 =	vadd.f32 v7, v6;
	_ =	sdelay $0x1  }
0x112: {  	[tilespmem:s3+$0x90E0] =	vst v6  }
0x113: {  	v6 =	vld [tilespmem:s30+$0x30F0]  }
0x114: {  	v7 =	vld [tilespmem:s31+$0x30F0]  }
0x115: {  	v8 =	vld [tilespmem:s0+$0x30F0];
	_ =	sdelay $0x2  }
0x116: {  	v6 =	vmul.f32 v6, v3  }
0x117: {  	v7 =	vmul.f32 v7, v5;
	_ =	sdelay $0x1  }
0x118: {  	v6 =	vadd.f32 v7, v6;
	v7 =	vmul.f32 v8, v4;
	_ =	sdelay $0x1  }
0x119: {  	v6 =	vadd.f32 v7, v6;
	_ =	sdelay $0x1  }
0x11a: {  	[tilespmem:s3+$0x90F0] =	vst v6  }
0x11b: {  	v6 =	vld [tilespmem:s30+$0x3480]  }
0x11c: {  	v7 =	vld [tilespmem:s31+$0x3480]  }
0x11d: {  	v8 =	vld [tilespmem:s0+$0x3480];
	_ =	sdelay $0x2  }
0x11e: {  	v6 =	vmul.f32 v6, v3  }
0x11f: {  	v7 =	vmul.f32 v7, v5;
	_ =	sdelay $0x1  }
0x120: {  	v6 =	vadd.f32 v7, v6;
	v7 =	vmul.f32 v8, v4;
	_ =	sdelay $0x1  }
0x121: {  	v6 =	vadd.f32 v7, v6;
	_ =	sdelay $0x1  }
0x122: {  	[tilespmem:s3+$0x9480] =	vst v6  }
0x123: {  	v6 =	vld [tilespmem:s30+$0x3490]  }
0x124: {  	v7 =	vld [tilespmem:s31+$0x3490]  }
0x125: {  	v8 =	vld [tilespmem:s0+$0x3490];
	_ =	sdelay $0x2  }
0x126: {  	v6 =	vmul.f32 v6, v3  }
0x127: {  	v7 =	vmul.f32 v7, v5;
	_ =	sdelay $0x1  }
0x128: {  	v6 =	vadd.f32 v7, v6;
	v7 =	vmul.f32 v8, v4;
	_ =	sdelay $0x1  }
0x129: {  	v6 =	vadd.f32 v7, v6;
	_ =	sdelay $0x1  }
0x12a: {  	[tilespmem:s3+$0x9490] =	vst v6  }
0x12b: {  	v6 =	vld [tilespmem:s30+$0x34A0]  }
0x12c: {  	v7 =	vld [tilespmem:s31+$0x34A0]  }
0x12d: {  	v8 =	vld [tilespmem:s0+$0x34A0];
	_ =	sdelay $0x2  }
0x12e: {  	v6 =	vmul.f32 v6, v3  }
0x12f: {  	v7 =	vmul.f32 v7, v5;
	_ =	sdelay $0x1  }
0x130: {  	v6 =	vadd.f32 v7, v6;
	v7 =	vmul.f32 v8, v4;
	_ =	sdelay $0x1  }
0x131: {  	v6 =	vadd.f32 v7, v6;
	_ =	sdelay $0x1  }
0x132: {  	[tilespmem:s3+$0x94A0] =	vst v6  }
0x133: {  	v6 =	vld [tilespmem:s30+$0x34B0]  }
0x134: {  	v7 =	vld [tilespmem:s31+$0x34B0]  }
0x135: {  	v8 =	vld [tilespmem:s0+$0x34B0];
	_ =	sdelay $0x2  }
0x136: {  	v6 =	vmul.f32 v6, v3  }
0x137: {  	v7 =	vmul.f32 v7, v5;
	_ =	sdelay $0x1  }
0x138: {  	v6 =	vadd.f32 v7, v6;
	v7 =	vmul.f32 v8, v4;
	_ =	sdelay $0x1  }
0x139: {  	v6 =	vadd.f32 v7, v6;
	_ =	sdelay $0x1  }
0x13a: {  	[tilespmem:s3+$0x94B0] =	vst v6  }
.Ltmp0:
0x13b: {  	v7 =	vld [tilespmem:s30+$0x34C0];
	(pc) =	sbr.rel @p0 .LBB2_3-.Ltmp0, $3  }
0x13c: {  	v8 =	vld [tilespmem:s31+$0x34C0]  }
0x13d: {  	v6 =	vld [tilespmem:s0+$0x34C0];
	_ =	sdelay $0x1  }
0x13e: {  	s25 =	sadd.s32 $0x180, s25  }
0x13f: {  	_ = 	snop  }
0x140: {  	v7 =	vmul.f32 v7, v3;
	v8 =	vmul.f32 v8, v5;
	_ =	sdelay $0x1  }
0x141: {  	v6 =	vmul.f32 v6, v4;
	v7 =	vadd.f32 v8, v7;
	_ =	sdelay $0x1  }
0x142: {  	v6 =	vadd.f32 v6, v7;
	_ =	sdelay $0x1  }
0x143: {  	[tilespmem:s3+$0x94C0] =	vst v6  }
0x144: {  	v6 =	vld [tilespmem:s30+$0x34D0]  }
0x145: {  	v54 =	vld [tilespmem:s31+$0x34D0];
	_ =	sdelay $0x1  }
0x146: {  	v55 =	vld [tilespmem:s0+$0x34D0];
	_ =	sdelay $0x2  }
0x147: {  	v6 =	vmul.f32 v6, v3;
	v7 =	vmul.f32 v54, v5;
	_ =	sdelay $0x1  }
0x148: {  	v56 =	vmul.f32 v55, v4;
	v6 =	vadd.f32 v7, v6;
	_ =	sdelay $0x1  }
0x149: {  	v6 =	vadd.f32 v56, v6;
	_ =	sdelay $0x1  }
0x14a: {  	[tilespmem:s3+$0x94D0] =	vst v6  }
0x14b: {  	v6 =	vld [tilespmem:s30+$0x34E0]  }
0x14c: {  	v57 =	vld [tilespmem:s31+$0x34E0];
	_ =	sdelay $0x1  }
0x14d: {  	v58 =	vld [tilespmem:s0+$0x34E0];
	_ =	sdelay $0x2  }
0x14e: {  	v6 =	vmul.f32 v6, v3;
	v7 =	vmul.f32 v57, v5;
	_ =	sdelay $0x1  }
0x14f: {  	v59 =	vmul.f32 v58, v4;
	v6 =	vadd.f32 v7, v6;
	_ =	sdelay $0x1  }
0x150: {  	v6 =	vadd.f32 v59, v6;
	_ =	sdelay $0x1  }
0x151: {  	[tilespmem:s3+$0x94E0] =	vst v6  }
0x152: {  	v6 =	vld [tilespmem:s30+$0x34F0]  }
0x153: {  	v60 =	vld [tilespmem:s31+$0x34F0];
	_ =	sdelay $0x1  }
0x154: {  	v61 =	vld [tilespmem:s0+$0x34F0];
	_ =	sdelay $0x2  }
0x155: {  	v3 =	vmul.f32 v6, v3;
	v62 =	vmul.f32 v60, v5;
	_ =	sdelay $0x1  }
0x156: {  	v63 =	vmul.f32 v61, v4;
	v3 =	vadd.f32 v62, v3;
	_ =	sdelay $0x1  }
0x157: {  	s26 =	sadd.s32 $0x1, s26;
	v3 =	vadd.f32 v63, v3  }
0x158: {  	s1 =	rddreg [dreg:$0x1];
	p0 =	sne.s32 s26, $0x40;
	s30 =	sshll.u32 s28, $0x5  }
.Ltmp1:
0x159: {  	s31 =	simm.s32 $0x0;
	s0 =	sadd.s32 s1, s30;
	[tilespmem:s3+$0x94F0] =	vst v3;
	(pc) =	sbr.rel @p0 .LBB2_2-.Ltmp1, $4  }
0x15a: {  	[hbm4b:s0+s31] =	stream.linear.scatter [tilespmem:s24], [sflag:$0x2], $0x2000, $0x38;
	[tilespmem:$0xB080] =	vst v63  }
0x15b: {  	_ =	swait.ge [sflag:s9], $0x2000  }
0x15c: {  	[sflag:s9] =	ssyncset.done $0x0  }
0x15d: {  	[sflag:s9] =	ssyncadd.s32 $0xFFFFE000  }
0x15e: {  	s1 =	rddreg [dreg:$0x4]  }
0x15f: {  	s0 =	rddreg [dreg:$0x3];
	s1 =	sadd.s32 $0x1, s1  }
0x160: {  	p0 =	sne.s32 s1, s0  }
.Ltmp2:
0x161: {  	_ = 	snop;
	(pc) =	sbr.rel @p0 .LBB2_1-.Ltmp2, $1  }
0x162: {  	_ =	sdelay $0x3  }
0x163: {  	_ =	sfence.sel $0x180000  }
0x164: {  	[bflag:$0x0] =	sbarrier.arrive $0xFFFF  }
0x165: {  	_ =	strace $0x90000047  }
0x166: {  	s0 =	stileid.u32;
	[bflag:$0x2] =	sbarrier.arrive $0xFFFF  }
0x167: {  	p0 =	sne.s32 s0, $0x0;
	s0 =	rddreg [dreg:$0x2]  }
0x168: {  	s0 =	sadd.s32 @!p0 $0x100000, s0  }
0x169: {  	[sflag:s0] =	ssyncadd.tile.s32 @!p0 $0x1;
	_ =	shalt  }
.Lfunc_end2:
_tile_overlayer_lowered:
.L_overlay_start_2:
0x16a: {  	(tag) =	ssettag $0x2  }
0x16b: {  	s0 =	rddreg [dreg:$0x0];
	s2 =	stileid.u32  }
0x16c: {  	s1 =	rddreg [dreg:$0x1];
	p0 =	sne.s32 s2, $0x0  }
0x16d: {  	s3 =	rddreg [dreg:$0x2];
	[bflag:$0x3] =	sbarrier.arrive $0xFFFF;
	s2 =	simm.s32 @!p0 $0x1C02  }
0x16e: {  	[timem:s3], [sflag:s2] =	dma.local @!p0 [hbm:s0], s1  }
0x16f: {  	s0 =	simm.s32 @!p0 $0x2  }
0x170: {  	_ =	swait.ge @!p0 [sflag:s0], s1  }
0x171: {  	s1 =	ssub.s32 @!p0 $0x0, s1;
	[sflag:s0] =	ssyncset.done @!p0 $0x0  }
0x172: {  	[sflag:s0] =	ssyncadd.s32 @!p0 s1  }
0x173: {  	[bflag:$0x3] =	sbarrier.arrive $0xFFFF  }
0x174: {  	_ =	shalt  }

</sc_bundles>
